<compile_context>
chip_gen: v7x
topology: tpu7x:2x2x1
jax: 0.10.2.dev20260603
libtpu: 0.0.44.dev20260713+nightly
codegen_flags: <defaults>
</compile_context>

<pallas_src>
import dataclasses
import functools

import jax
import jax.numpy as jnp
from jax import lax
from jax.experimental import pallas as pl
from jax.experimental.pallas import tpu as pltpu
from jax.experimental.pallas import tpu_sc as plsc

_DIM = 2048
_E = 16
_T = 16384
_LANES = 16
_NC = 2
_NS = 16
_NW = _NC * _NS
_TPW = _T // _NW
_BT = 1024


def _tc_logits_body(w_ref, x_ref, out_ref):
    out_ref[...] = lax.dot_general(
        w_ref[...], x_ref[...], (((1,), (1,)), ((), ())),
        preferred_element_type=jnp.float32)


def _tc_logits(x, w, start_block, nblocks):
    return pl.pallas_call(
        _tc_logits_body,
        grid=(nblocks,),
        in_specs=[
            pl.BlockSpec((_E, _DIM), lambda i: (0, 0)),
            pl.BlockSpec((_BT, _DIM), lambda i: (i + start_block, 0)),
        ],
        out_specs=pl.BlockSpec((_E, _BT), lambda i: (0, i)),
        out_shape=jax.ShapeDtypeStruct((_E, nblocks * _BT), jnp.float32),
    )(w, x)


def _router_body(lt_hbm, ow_hbm, oi_hbm, lt_v, w_v, i_v, *, tpw):
    wid = lax.axis_index("s") * _NC + lax.axis_index("c")
    base = wid * tpw
    pltpu.sync_copy(lt_hbm.at[:, pl.ds(base, tpw)], lt_v)

    neg = jnp.full((_LANES,), -3.0e38, jnp.float32)
    big = jnp.full((_LANES,), _E, jnp.int32)

    @pl.loop(0, tpw, step=_LANES)
    def _(j):
        ls = [lt_v[e, pl.ds(j, _LANES)] for e in range(_E)]
        m1 = ls[0]
        for e in range(1, _E):
            m1 = jnp.maximum(m1, ls[e])
        i1 = big
        for e in range(_E):
            i1 = jnp.minimum(i1, jnp.where(ls[e] == m1, jnp.int32(e), jnp.int32(_E)))
        m2 = neg
        for e in range(_E):
            m2 = jnp.maximum(m2, jnp.where(i1 == e, neg, ls[e]))
        i2 = big
        for e in range(_E):
            cond = (ls[e] == m2) & (i1 != e)
            i2 = jnp.minimum(i2, jnp.where(cond, jnp.int32(e), jnp.int32(_E)))
        t = jnp.exp(m2 - m1)
        w1 = 1.0 / (1.0 + t)
        w2 = t * w1
        w_v[0, pl.ds(j, _LANES)] = w1
        w_v[1, pl.ds(j, _LANES)] = w2
        i_v[0, pl.ds(j, _LANES)] = i1
        i_v[1, pl.ds(j, _LANES)] = i2

    pltpu.sync_copy(w_v, ow_hbm.at[:, pl.ds(base, tpw)])
    pltpu.sync_copy(i_v, oi_hbm.at[:, pl.ds(base, tpw)])


def _sc_router(lt):
    tc = lt.shape[1]
    tpw = tc // _NW
    mesh = plsc.VectorSubcoreMesh(core_axis_name="c", subcore_axis_name="s")
    cp = pltpu.CompilerParams()
    if "needs_layout_passes" in pltpu.CompilerParams.__dataclass_fields__:
        cp = dataclasses.replace(cp, needs_layout_passes=False)
    f = pl.kernel(
        functools.partial(_router_body, tpw=tpw),
        out_type=(
            jax.ShapeDtypeStruct((2, tc), jnp.float32),
            jax.ShapeDtypeStruct((2, tc), jnp.int32),
        ),
        mesh=mesh,
        scratch_types=[
            pltpu.VMEM((_E, tpw), jnp.float32),
            pltpu.VMEM((2, tpw), jnp.float32),
            pltpu.VMEM((2, tpw), jnp.int32),
        ],
        compiler_params=cp,
    )
    return f(lt)


@jax.jit
def kernel(x, W):
    lt = _tc_logits(x, W, 0, _T // _BT)
    wpl, ipl = _sc_router(lt)
    return wpl.T, ipl.T

# --- scband reference (transcript-rebuilt; emitter-appended) ---
"""Pipeline reference for scband-top-krouter-74964359184846 (READ-ONLY COPY).

The authoritative reference and input builder live on the scoring server;
editing this copy changes nothing except your own understanding.
"""

import jax, jax.numpy as jnp
import numpy as np

DIM = 2048
NUM_EXPERTS = 16
TOP_K = 2
TOKENS = 16384

def setup_inputs(seed: int = 0) -> dict:
    key = jax.random.key(seed)
    kx, kw = jax.random.split(key)
    x = jax.random.normal(kx, (TOKENS, DIM), dtype=jnp.float32)
    # nn.Linear(dim, num_experts, bias=False) weight: [num_experts, dim]
    bound = 1.0 / np.sqrt(DIM)
    W = jax.random.uniform(kw, (NUM_EXPERTS, DIM), dtype=jnp.float32, minval=-bound, maxval=bound)
    return {"x": x, "W": W}

def reference(x, W):
    logits = x @ W.T
    routing_weights = jax.nn.softmax(logits, axis=-1)
    top_weights, top_indices = jax.lax.top_k(routing_weights, TOP_K)
    top_weights = top_weights / jnp.sum(top_weights, axis=-1, keepdims=True)
    return (top_weights, top_indices)

if __name__ == "__main__":
    import jax
    _d = setup_inputs()
    print(jax.jit(kernel)(*tuple(_d.values())))

</pallas_src>

<mosaic_0001>
#map = affine_map<(d0, d1) -> (0, 0)>
module attributes {stable_mosaic.version = 14 : i64} {
  func.func @_router_body(%arg0: i32, %arg1: i32, %arg2: memref<16x16384xf32, #tpu.memory_space<hbm>>, %arg3: memref<2x16384xf32, #tpu.memory_space<hbm>>, %arg4: memref<2x16384xi32, #tpu.memory_space<hbm>>, %arg5: memref<16x512xf32, #tpu.memory_space<vmem>>, %arg6: memref<2x512xf32, #tpu.memory_space<vmem>>, %arg7: memref<2x512xi32, #tpu.memory_space<vmem>>) attributes {dimension_semantics = [#tpu.dimension_semantics<core_parallel>, #tpu.dimension_semantics<subcore_parallel>], iteration_bounds = array<i64: 2, 16>, scalar_prefetch = 0 : i64, scratch_operands = 3 : i64, tpu.core_type = #tpu.core_type<sc_vector_subcore>, window_params = [{transform_indices = #map}, {transform_indices = #map}, {transform_indices = #map}]} {
    %mul3A = arith.constant 2 : i32
    %mul3A_0 = arith.muli %arg1, %mul3A : i32
    %add3A = arith.addi %mul3A_0, %arg0 : i32
    %mul3A_1 = arith.constant 512 : i32
    %mul3A_2 = arith.muli %add3A, %mul3A_1 : i32
    "tpu.region"() ({
      %run_scoped3A = tpu.sem_alloc : memref<!tpu.dma_semaphore, #tpu.memory_space<semaphore_mem>>
      %dma_start3A = arith.constant 0 : i32
      %dma_start3A_10 = tpu.memref_slice %arg2[%dma_start3A, %mul3A_2] : memref<16x16384xf32, #tpu.memory_space<hbm>> -> memref<16x512xf32, #tpu.memory_space<hbm>>
      %dma_start3A_11 = arith.constant 0 : i32
      %dma_start3A_12 = tpu.memref_slice %arg2[%dma_start3A_11, %mul3A_2] : memref<16x16384xf32, #tpu.memory_space<hbm>> -> memref<16x512xf32, #tpu.memory_space<hbm>>
      tpu.enqueue_dma source(%dma_start3A_12 : memref<16x512xf32, #tpu.memory_space<hbm>>) target(%arg5 : memref<16x512xf32, #tpu.memory_space<vmem>>) target_semaphore(%run_scoped3A : memref<!tpu.dma_semaphore, #tpu.memory_space<semaphore_mem>>)
      %dma_wait3A = arith.constant 0 : i32
      %dma_wait3A_13 = tpu.memref_slice %arg2[%dma_wait3A, %mul3A_2] : memref<16x16384xf32, #tpu.memory_space<hbm>> -> memref<16x512xf32, #tpu.memory_space<hbm>>
      %dma_wait3A_14 = arith.constant 0 : i32
      %dma_wait3A_15 = tpu.memref_slice %arg2[%dma_wait3A_14, %mul3A_2] : memref<16x16384xf32, #tpu.memory_space<hbm>> -> memref<16x512xf32, #tpu.memory_space<hbm>>
      tpu.wait_dma2 semaphore(%run_scoped3A : memref<!tpu.dma_semaphore, #tpu.memory_space<semaphore_mem>>) src(%dma_wait3A_15 : memref<16x512xf32, #tpu.memory_space<hbm>>) dst(%arg5 : memref<16x512xf32, #tpu.memory_space<vmem>>)
      tpu.yield
    }) : () -> ()
    %broadcast_in_dim3A = arith.constant -3.000000e+38 : f32
    %broadcast_in_dim3A_3 = vector.broadcast %broadcast_in_dim3A : f32 to vector<16xf32>
    %broadcast_in_dim3A_4 = arith.constant 16 : i32
    %broadcast_in_dim3A_5 = vector.broadcast %broadcast_in_dim3A_4 : i32 to vector<16xi32>
    %scan3A = arith.constant 0 : i32
    %scan3A_6 = arith.constant 32 : i32
    %scan3A_7 = arith.addi %scan3A, %scan3A_6 : i32
    %scan3A_8 = arith.constant 1 : i32
    scf.for %scan3A_10 = %scan3A to %scan3A_7 step %scan3A_8  : i32 {
      %mul3A_11 = arith.constant 16 : i32
      %mul3A_12 = arith.muli %scan3A_10, %mul3A_11 : i32
      %add3A_13 = arith.constant 0 : i32
      %add3A_14 = arith.addi %add3A_13, %mul3A_12 : i32
      %get3A = arith.constant 0 : i32
      %get3A_15 = arith.index_cast %get3A : i32 to index
      %get3A_16 = arith.index_cast %add3A_14 : i32 to index
      %get3A_17 = tpu.vector_load %arg5[%get3A_15, %get3A_16] {strides = array<i32>} : memref<16x512xf32, #tpu.memory_space<vmem>>, vector<16xf32>,
      %get3A_18 = arith.constant 1 : i32
      %get3A_19 = arith.index_cast %get3A_18 : i32 to index
      %get3A_20 = arith.index_cast %add3A_14 : i32 to index
      %get3A_21 = tpu.vector_load %arg5[%get3A_19, %get3A_20] {strides = array<i32>} : memref<16x512xf32, #tpu.memory_space<vmem>>, vector<16xf32>,
      %get3A_22 = arith.constant 2 : i32
      %get3A_23 = arith.index_cast %get3A_22 : i32 to index
      %get3A_24 = arith.index_cast %add3A_14 : i32 to index
      %get3A_25 = tpu.vector_load %arg5[%get3A_23, %get3A_24] {strides = array<i32>} : memref<16x512xf32, #tpu.memory_space<vmem>>, vector<16xf32>,
      %get3A_26 = arith.constant 3 : i32
      %get3A_27 = arith.index_cast %get3A_26 : i32 to index
      %get3A_28 = arith.index_cast %add3A_14 : i32 to index
      %get3A_29 = tpu.vector_load %arg5[%get3A_27, %get3A_28] {strides = array<i32>} : memref<16x512xf32, #tpu.memory_space<vmem>>, vector<16xf32>,
      %get3A_30 = arith.constant 4 : i32
      %get3A_31 = arith.index_cast %get3A_30 : i32 to index
      %get3A_32 = arith.index_cast %add3A_14 : i32 to index
      %get3A_33 = tpu.vector_load %arg5[%get3A_31, %get3A_32] {strides = array<i32>} : memref<16x512xf32, #tpu.memory_space<vmem>>, vector<16xf32>,
      %get3A_34 = arith.constant 5 : i32
      %get3A_35 = arith.index_cast %get3A_34 : i32 to index
      %get3A_36 = arith.index_cast %add3A_14 : i32 to index
      %get3A_37 = tpu.vector_load %arg5[%get3A_35, %get3A_36] {strides = array<i32>} : memref<16x512xf32, #tpu.memory_space<vmem>>, vector<16xf32>,
      %get3A_38 = arith.constant 6 : i32
      %get3A_39 = arith.index_cast %get3A_38 : i32 to index
      %get3A_40 = arith.index_cast %add3A_14 : i32 to index
      %get3A_41 = tpu.vector_load %arg5[%get3A_39, %get3A_40] {strides = array<i32>} : memref<16x512xf32, #tpu.memory_space<vmem>>, vector<16xf32>,
      %get3A_42 = arith.constant 7 : i32
      %get3A_43 = arith.index_cast %get3A_42 : i32 to index
      %get3A_44 = arith.index_cast %add3A_14 : i32 to index
      %get3A_45 = tpu.vector_load %arg5[%get3A_43, %get3A_44] {strides = array<i32>} : memref<16x512xf32, #tpu.memory_space<vmem>>, vector<16xf32>,
      %get3A_46 = arith.constant 8 : i32
      %get3A_47 = arith.index_cast %get3A_46 : i32 to index
      %get3A_48 = arith.index_cast %add3A_14 : i32 to index
      %get3A_49 = tpu.vector_load %arg5[%get3A_47, %get3A_48] {strides = array<i32>} : memref<16x512xf32, #tpu.memory_space<vmem>>, vector<16xf32>,
      %get3A_50 = arith.constant 9 : i32
      %get3A_51 = arith.index_cast %get3A_50 : i32 to index
      %get3A_52 = arith.index_cast %add3A_14 : i32 to index
      %get3A_53 = tpu.vector_load %arg5[%get3A_51, %get3A_52] {strides = array<i32>} : memref<16x512xf32, #tpu.memory_space<vmem>>, vector<16xf32>,
      %get3A_54 = arith.constant 10 : i32
      %get3A_55 = arith.index_cast %get3A_54 : i32 to index
      %get3A_56 = arith.index_cast %add3A_14 : i32 to index
      %get3A_57 = tpu.vector_load %arg5[%get3A_55, %get3A_56] {strides = array<i32>} : memref<16x512xf32, #tpu.memory_space<vmem>>, vector<16xf32>,
      %get3A_58 = arith.constant 11 : i32
      %get3A_59 = arith.index_cast %get3A_58 : i32 to index
      %get3A_60 = arith.index_cast %add3A_14 : i32 to index
      %get3A_61 = tpu.vector_load %arg5[%get3A_59, %get3A_60] {strides = array<i32>} : memref<16x512xf32, #tpu.memory_space<vmem>>, vector<16xf32>,
      %get3A_62 = arith.constant 12 : i32
      %get3A_63 = arith.index_cast %get3A_62 : i32 to index
      %get3A_64 = arith.index_cast %add3A_14 : i32 to index
      %get3A_65 = tpu.vector_load %arg5[%get3A_63, %get3A_64] {strides = array<i32>} : memref<16x512xf32, #tpu.memory_space<vmem>>, vector<16xf32>,
      %get3A_66 = arith.constant 13 : i32
      %get3A_67 = arith.index_cast %get3A_66 : i32 to index
      %get3A_68 = arith.index_cast %add3A_14 : i32 to index
      %get3A_69 = tpu.vector_load %arg5[%get3A_67, %get3A_68] {strides = array<i32>} : memref<16x512xf32, #tpu.memory_space<vmem>>, vector<16xf32>,
      %get3A_70 = arith.constant 14 : i32
      %get3A_71 = arith.index_cast %get3A_70 : i32 to index
      %get3A_72 = arith.index_cast %add3A_14 : i32 to index
      %get3A_73 = tpu.vector_load %arg5[%get3A_71, %get3A_72] {strides = array<i32>} : memref<16x512xf32, #tpu.memory_space<vmem>>, vector<16xf32>,
      %get3A_74 = arith.constant 15 : i32
      %get3A_75 = arith.index_cast %get3A_74 : i32 to index
      %get3A_76 = arith.index_cast %add3A_14 : i32 to index
      %get3A_77 = tpu.vector_load %arg5[%get3A_75, %get3A_76] {strides = array<i32>} : memref<16x512xf32, #tpu.memory_space<vmem>>, vector<16xf32>,
      %max3A = arith.maximumf %get3A_17, %get3A_21 : vector<16xf32>
      %max3A_78 = arith.maximumf %max3A, %get3A_25 : vector<16xf32>
      %max3A_79 = arith.maximumf %max3A_78, %get3A_29 : vector<16xf32>
      %max3A_80 = arith.maximumf %max3A_79, %get3A_33 : vector<16xf32>
      %max3A_81 = arith.maximumf %max3A_80, %get3A_37 : vector<16xf32>
      %max3A_82 = arith.maximumf %max3A_81, %get3A_41 : vector<16xf32>
      %max3A_83 = arith.maximumf %max3A_82, %get3A_45 : vector<16xf32>
      %max3A_84 = arith.maximumf %max3A_83, %get3A_49 : vector<16xf32>
      %max3A_85 = arith.maximumf %max3A_84, %get3A_53 : vector<16xf32>
      %max3A_86 = arith.maximumf %max3A_85, %get3A_57 : vector<16xf32>
      %max3A_87 = arith.maximumf %max3A_86, %get3A_61 : vector<16xf32>
      %max3A_88 = arith.maximumf %max3A_87, %get3A_65 : vector<16xf32>
      %max3A_89 = arith.maximumf %max3A_88, %get3A_69 : vector<16xf32>
      %max3A_90 = arith.maximumf %max3A_89, %get3A_73 : vector<16xf32>
      %max3A_91 = arith.maximumf %max3A_90, %get3A_77 : vector<16xf32>
      %eq3A = arith.cmpf oeq, %get3A_17, %max3A_91 : vector<16xf32>
      %jit3A = arith.constant 0 : i32
      %jit3A_92 = arith.constant 16 : i32
      %broadcast_in_dim3A_93 = vector.broadcast %jit3A : i32 to vector<16xi32>
      %broadcast_in_dim3A_94 = vector.broadcast %jit3A_92 : i32 to vector<16xi32>
      %select_n3A = arith.select %eq3A, %broadcast_in_dim3A_93, %broadcast_in_dim3A_94 : vector<16xi1>, vector<16xi32>
      %min3A = arith.minsi %broadcast_in_dim3A_5, %select_n3A : vector<16xi32>
      %eq3A_95 = arith.cmpf oeq, %get3A_21, %max3A_91 : vector<16xf32>
      %jit3A_96 = arith.constant 1 : i32
      %jit3A_97 = arith.constant 16 : i32
      %broadcast_in_dim3A_98 = vector.broadcast %jit3A_96 : i32 to vector<16xi32>
      %broadcast_in_dim3A_99 = vector.broadcast %jit3A_97 : i32 to vector<16xi32>
      %select_n3A_100 = arith.select %eq3A_95, %broadcast_in_dim3A_98, %broadcast_in_dim3A_99 : vector<16xi1>, vector<16xi32>
      %min3A_101 = arith.minsi %min3A, %select_n3A_100 : vector<16xi32>
      %eq3A_102 = arith.cmpf oeq, %get3A_25, %max3A_91 : vector<16xf32>
      %jit3A_103 = arith.constant 2 : i32
      %jit3A_104 = arith.constant 16 : i32
      %broadcast_in_dim3A_105 = vector.broadcast %jit3A_103 : i32 to vector<16xi32>
      %broadcast_in_dim3A_106 = vector.broadcast %jit3A_104 : i32 to vector<16xi32>
      %select_n3A_107 = arith.select %eq3A_102, %broadcast_in_dim3A_105, %broadcast_in_dim3A_106 : vector<16xi1>, vector<16xi32>
      %min3A_108 = arith.minsi %min3A_101, %select_n3A_107 : vector<16xi32>
      %eq3A_109 = arith.cmpf oeq, %get3A_29, %max3A_91 : vector<16xf32>
      %jit3A_110 = arith.constant 3 : i32
      %jit3A_111 = arith.constant 16 : i32
      %broadcast_in_dim3A_112 = vector.broadcast %jit3A_110 : i32 to vector<16xi32>
      %broadcast_in_dim3A_113 = vector.broadcast %jit3A_111 : i32 to vector<16xi32>
      %select_n3A_114 = arith.select %eq3A_109, %broadcast_in_dim3A_112, %broadcast_in_dim3A_113 : vector<16xi1>, vector<16xi32>
      %min3A_115 = arith.minsi %min3A_108, %select_n3A_114 : vector<16xi32>
      %eq3A_116 = arith.cmpf oeq, %get3A_33, %max3A_91 : vector<16xf32>
      %jit3A_117 = arith.constant 4 : i32
      %jit3A_118 = arith.constant 16 : i32
      %broadcast_in_dim3A_119 = vector.broadcast %jit3A_117 : i32 to vector<16xi32>
      %broadcast_in_dim3A_120 = vector.broadcast %jit3A_118 : i32 to vector<16xi32>
      %select_n3A_121 = arith.select %eq3A_116, %broadcast_in_dim3A_119, %broadcast_in_dim3A_120 : vector<16xi1>, vector<16xi32>
      %min3A_122 = arith.minsi %min3A_115, %select_n3A_121 : vector<16xi32>
      %eq3A_123 = arith.cmpf oeq, %get3A_37, %max3A_91 : vector<16xf32>
      %jit3A_124 = arith.constant 5 : i32
      %jit3A_125 = arith.constant 16 : i32
      %broadcast_in_dim3A_126 = vector.broadcast %jit3A_124 : i32 to vector<16xi32>
      %broadcast_in_dim3A_127 = vector.broadcast %jit3A_125 : i32 to vector<16xi32>
      %select_n3A_128 = arith.select %eq3A_123, %broadcast_in_dim3A_126, %broadcast_in_dim3A_127 : vector<16xi1>, vector<16xi32>
      %min3A_129 = arith.minsi %min3A_122, %select_n3A_128 : vector<16xi32>
      %eq3A_130 = arith.cmpf oeq, %get3A_41, %max3A_91 : vector<16xf32>
      %jit3A_131 = arith.constant 6 : i32
      %jit3A_132 = arith.constant 16 : i32
      %broadcast_in_dim3A_133 = vector.broadcast %jit3A_131 : i32 to vector<16xi32>
      %broadcast_in_dim3A_134 = vector.broadcast %jit3A_132 : i32 to vector<16xi32>
      %select_n3A_135 = arith.select %eq3A_130, %broadcast_in_dim3A_133, %broadcast_in_dim3A_134 : vector<16xi1>, vector<16xi32>
      %min3A_136 = arith.minsi %min3A_129, %select_n3A_135 : vector<16xi32>
      %eq3A_137 = arith.cmpf oeq, %get3A_45, %max3A_91 : vector<16xf32>
      %jit3A_138 = arith.constant 7 : i32
      %jit3A_139 = arith.constant 16 : i32
      %broadcast_in_dim3A_140 = vector.broadcast %jit3A_138 : i32 to vector<16xi32>
      %broadcast_in_dim3A_141 = vector.broadcast %jit3A_139 : i32 to vector<16xi32>
      %select_n3A_142 = arith.select %eq3A_137, %broadcast_in_dim3A_140, %broadcast_in_dim3A_141 : vector<16xi1>, vector<16xi32>
      %min3A_143 = arith.minsi %min3A_136, %select_n3A_142 : vector<16xi32>
      %eq3A_144 = arith.cmpf oeq, %get3A_49, %max3A_91 : vector<16xf32>
      %jit3A_145 = arith.constant 8 : i32
      %jit3A_146 = arith.constant 16 : i32
      %broadcast_in_dim3A_147 = vector.broadcast %jit3A_145 : i32 to vector<16xi32>
      %broadcast_in_dim3A_148 = vector.broadcast %jit3A_146 : i32 to vector<16xi32>
      %select_n3A_149 = arith.select %eq3A_144, %broadcast_in_dim3A_147, %broadcast_in_dim3A_148 : vector<16xi1>, vector<16xi32>
      %min3A_150 = arith.minsi %min3A_143, %select_n3A_149 : vector<16xi32>
      %eq3A_151 = arith.cmpf oeq, %get3A_53, %max3A_91 : vector<16xf32>
      %jit3A_152 = arith.constant 9 : i32
      %jit3A_153 = arith.constant 16 : i32
      %broadcast_in_dim3A_154 = vector.broadcast %jit3A_152 : i32 to vector<16xi32>
      %broadcast_in_dim3A_155 = vector.broadcast %jit3A_153 : i32 to vector<16xi32>
      %select_n3A_156 = arith.select %eq3A_151, %broadcast_in_dim3A_154, %broadcast_in_dim3A_155 : vector<16xi1>, vector<16xi32>
      %min3A_157 = arith.minsi %min3A_150, %select_n3A_156 : vector<16xi32>
      %eq3A_158 = arith.cmpf oeq, %get3A_57, %max3A_91 : vector<16xf32>
      %jit3A_159 = arith.constant 10 : i32
      %jit3A_160 = arith.constant 16 : i32
      %broadcast_in_dim3A_161 = vector.broadcast %jit3A_159 : i32 to vector<16xi32>
      %broadcast_in_dim3A_162 = vector.broadcast %jit3A_160 : i32 to vector<16xi32>
      %select_n3A_163 = arith.select %eq3A_158, %broadcast_in_dim3A_161, %broadcast_in_dim3A_162 : vector<16xi1>, vector<16xi32>
      %min3A_164 = arith.minsi %min3A_157, %select_n3A_163 : vector<16xi32>
      %eq3A_165 = arith.cmpf oeq, %get3A_61, %max3A_91 : vector<16xf32>
      %jit3A_166 = arith.constant 11 : i32
      %jit3A_167 = arith.constant 16 : i32
      %broadcast_in_dim3A_168 = vector.broadcast %jit3A_166 : i32 to vector<16xi32>
      %broadcast_in_dim3A_169 = vector.broadcast %jit3A_167 : i32 to vector<16xi32>
      %select_n3A_170 = arith.select %eq3A_165, %broadcast_in_dim3A_168, %broadcast_in_dim3A_169 : vector<16xi1>, vector<16xi32>
      %min3A_171 = arith.minsi %min3A_164, %select_n3A_170 : vector<16xi32>
      %eq3A_172 = arith.cmpf oeq, %get3A_65, %max3A_91 : vector<16xf32>
      %jit3A_173 = arith.constant 12 : i32
      %jit3A_174 = arith.constant 16 : i32
      %broadcast_in_dim3A_175 = vector.broadcast %jit3A_173 : i32 to vector<16xi32>
      %broadcast_in_dim3A_176 = vector.broadcast %jit3A_174 : i32 to vector<16xi32>
      %select_n3A_177 = arith.select %eq3A_172, %broadcast_in_dim3A_175, %broadcast_in_dim3A_176 : vector<16xi1>, vector<16xi32>
      %min3A_178 = arith.minsi %min3A_171, %select_n3A_177 : vector<16xi32>
      %eq3A_179 = arith.cmpf oeq, %get3A_69, %max3A_91 : vector<16xf32>
      %jit3A_180 = arith.constant 13 : i32
      %jit3A_181 = arith.constant 16 : i32
      %broadcast_in_dim3A_182 = vector.broadcast %jit3A_180 : i32 to vector<16xi32>
      %broadcast_in_dim3A_183 = vector.broadcast %jit3A_181 : i32 to vector<16xi32>
      %select_n3A_184 = arith.select %eq3A_179, %broadcast_in_dim3A_182, %broadcast_in_dim3A_183 : vector<16xi1>, vector<16xi32>
      %min3A_185 = arith.minsi %min3A_178, %select_n3A_184 : vector<16xi32>
      %eq3A_186 = arith.cmpf oeq, %get3A_73, %max3A_91 : vector<16xf32>
      %jit3A_187 = arith.constant 14 : i32
      %jit3A_188 = arith.constant 16 : i32
      %broadcast_in_dim3A_189 = vector.broadcast %jit3A_187 : i32 to vector<16xi32>
      %broadcast_in_dim3A_190 = vector.broadcast %jit3A_188 : i32 to vector<16xi32>
      %select_n3A_191 = arith.select %eq3A_186, %broadcast_in_dim3A_189, %broadcast_in_dim3A_190 : vector<16xi1>, vector<16xi32>
      %min3A_192 = arith.minsi %min3A_185, %select_n3A_191 : vector<16xi32>
      %eq3A_193 = arith.cmpf oeq, %get3A_77, %max3A_91 : vector<16xf32>
      %jit3A_194 = arith.constant 15 : i32
      %jit3A_195 = arith.constant 16 : i32
      %broadcast_in_dim3A_196 = vector.broadcast %jit3A_194 : i32 to vector<16xi32>
      %broadcast_in_dim3A_197 = vector.broadcast %jit3A_195 : i32 to vector<16xi32>
      %select_n3A_198 = arith.select %eq3A_193, %broadcast_in_dim3A_196, %broadcast_in_dim3A_197 : vector<16xi1>, vector<16xi32>
      %min3A_199 = arith.minsi %min3A_192, %select_n3A_198 : vector<16xi32>
      %eq3A_200 = arith.constant 0 : i32
      %eq3A_201 = vector.broadcast %eq3A_200 : i32 to vector<16xi32>
      %eq3A_202 = arith.cmpi eq, %min3A_199, %eq3A_201 : vector<16xi32>
      %select_n3A_203 = arith.select %eq3A_202, %broadcast_in_dim3A_3, %get3A_17 : vector<16xi1>, vector<16xf32>
      %max3A_204 = arith.maximumf %broadcast_in_dim3A_3, %select_n3A_203 : vector<16xf32>
      %eq3A_205 = arith.constant 1 : i32
      %eq3A_206 = vector.broadcast %eq3A_205 : i32 to vector<16xi32>
      %eq3A_207 = arith.cmpi eq, %min3A_199, %eq3A_206 : vector<16xi32>
      %select_n3A_208 = arith.select %eq3A_207, %broadcast_in_dim3A_3, %get3A_21 : vector<16xi1>, vector<16xf32>
      %max3A_209 = arith.maximumf %max3A_204, %select_n3A_208 : vector<16xf32>
      %eq3A_210 = arith.constant 2 : i32
      %eq3A_211 = vector.broadcast %eq3A_210 : i32 to vector<16xi32>
      %eq3A_212 = arith.cmpi eq, %min3A_199, %eq3A_211 : vector<16xi32>
      %select_n3A_213 = arith.select %eq3A_212, %broadcast_in_dim3A_3, %get3A_25 : vector<16xi1>, vector<16xf32>
      %max3A_214 = arith.maximumf %max3A_209, %select_n3A_213 : vector<16xf32>
      %eq3A_215 = arith.constant 3 : i32
      %eq3A_216 = vector.broadcast %eq3A_215 : i32 to vector<16xi32>
      %eq3A_217 = arith.cmpi eq, %min3A_199, %eq3A_216 : vector<16xi32>
      %select_n3A_218 = arith.select %eq3A_217, %broadcast_in_dim3A_3, %get3A_29 : vector<16xi1>, vector<16xf32>
      %max3A_219 = arith.maximumf %max3A_214, %select_n3A_218 : vector<16xf32>
      %eq3A_220 = arith.constant 4 : i32
      %eq3A_221 = vector.broadcast %eq3A_220 : i32 to vector<16xi32>
      %eq3A_222 = arith.cmpi eq, %min3A_199, %eq3A_221 : vector<16xi32>
      %select_n3A_223 = arith.select %eq3A_222, %broadcast_in_dim3A_3, %get3A_33 : vector<16xi1>, vector<16xf32>
      %max3A_224 = arith.maximumf %max3A_219, %select_n3A_223 : vector<16xf32>
      %eq3A_225 = arith.constant 5 : i32
      %eq3A_226 = vector.broadcast %eq3A_225 : i32 to vector<16xi32>
      %eq3A_227 = arith.cmpi eq, %min3A_199, %eq3A_226 : vector<16xi32>
      %select_n3A_228 = arith.select %eq3A_227, %broadcast_in_dim3A_3, %get3A_37 : vector<16xi1>, vector<16xf32>
      %max3A_229 = arith.maximumf %max3A_224, %select_n3A_228 : vector<16xf32>
      %eq3A_230 = arith.constant 6 : i32
      %eq3A_231 = vector.broadcast %eq3A_230 : i32 to vector<16xi32>
      %eq3A_232 = arith.cmpi eq, %min3A_199, %eq3A_231 : vector<16xi32>
      %select_n3A_233 = arith.select %eq3A_232, %broadcast_in_dim3A_3, %get3A_41 : vector<16xi1>, vector<16xf32>
      %max3A_234 = arith.maximumf %max3A_229, %select_n3A_233 : vector<16xf32>
      %eq3A_235 = arith.constant 7 : i32
      %eq3A_236 = vector.broadcast %eq3A_235 : i32 to vector<16xi32>
      %eq3A_237 = arith.cmpi eq, %min3A_199, %eq3A_236 : vector<16xi32>
      %select_n3A_238 = arith.select %eq3A_237, %broadcast_in_dim3A_3, %get3A_45 : vector<16xi1>, vector<16xf32>
      %max3A_239 = arith.maximumf %max3A_234, %select_n3A_238 : vector<16xf32>
      %eq3A_240 = arith.constant 8 : i32
      %eq3A_241 = vector.broadcast %eq3A_240 : i32 to vector<16xi32>
      %eq3A_242 = arith.cmpi eq, %min3A_199, %eq3A_241 : vector<16xi32>
      %select_n3A_243 = arith.select %eq3A_242, %broadcast_in_dim3A_3, %get3A_49 : vector<16xi1>, vector<16xf32>
      %max3A_244 = arith.maximumf %max3A_239, %select_n3A_243 : vector<16xf32>
      %eq3A_245 = arith.constant 9 : i32
      %eq3A_246 = vector.broadcast %eq3A_245 : i32 to vector<16xi32>
      %eq3A_247 = arith.cmpi eq, %min3A_199, %eq3A_246 : vector<16xi32>
      %select_n3A_248 = arith.select %eq3A_247, %broadcast_in_dim3A_3, %get3A_53 : vector<16xi1>, vector<16xf32>
      %max3A_249 = arith.maximumf %max3A_244, %select_n3A_248 : vector<16xf32>
      %eq3A_250 = arith.constant 10 : i32
      %eq3A_251 = vector.broadcast %eq3A_250 : i32 to vector<16xi32>
      %eq3A_252 = arith.cmpi eq, %min3A_199, %eq3A_251 : vector<16xi32>
      %select_n3A_253 = arith.select %eq3A_252, %broadcast_in_dim3A_3, %get3A_57 : vector<16xi1>, vector<16xf32>
      %max3A_254 = arith.maximumf %max3A_249, %select_n3A_253 : vector<16xf32>
      %eq3A_255 = arith.constant 11 : i32
      %eq3A_256 = vector.broadcast %eq3A_255 : i32 to vector<16xi32>
      %eq3A_257 = arith.cmpi eq, %min3A_199, %eq3A_256 : vector<16xi32>
      %select_n3A_258 = arith.select %eq3A_257, %broadcast_in_dim3A_3, %get3A_61 : vector<16xi1>, vector<16xf32>
      %max3A_259 = arith.maximumf %max3A_254, %select_n3A_258 : vector<16xf32>
      %eq3A_260 = arith.constant 12 : i32
      %eq3A_261 = vector.broadcast %eq3A_260 : i32 to vector<16xi32>
      %eq3A_262 = arith.cmpi eq, %min3A_199, %eq3A_261 : vector<16xi32>
      %select_n3A_263 = arith.select %eq3A_262, %broadcast_in_dim3A_3, %get3A_65 : vector<16xi1>, vector<16xf32>
      %max3A_264 = arith.maximumf %max3A_259, %select_n3A_263 : vector<16xf32>
      %eq3A_265 = arith.constant 13 : i32
      %eq3A_266 = vector.broadcast %eq3A_265 : i32 to vector<16xi32>
      %eq3A_267 = arith.cmpi eq, %min3A_199, %eq3A_266 : vector<16xi32>
      %select_n3A_268 = arith.select %eq3A_267, %broadcast_in_dim3A_3, %get3A_69 : vector<16xi1>, vector<16xf32>
      %max3A_269 = arith.maximumf %max3A_264, %select_n3A_268 : vector<16xf32>
      %eq3A_270 = arith.constant 14 : i32
      %eq3A_271 = vector.broadcast %eq3A_270 : i32 to vector<16xi32>
      %eq3A_272 = arith.cmpi eq, %min3A_199, %eq3A_271 : vector<16xi32>
      %select_n3A_273 = arith.select %eq3A_272, %broadcast_in_dim3A_3, %get3A_73 : vector<16xi1>, vector<16xf32>
      %max3A_274 = arith.maximumf %max3A_269, %select_n3A_273 : vector<16xf32>
      %eq3A_275 = arith.constant 15 : i32
      %eq3A_276 = vector.broadcast %eq3A_275 : i32 to vector<16xi32>
      %eq3A_277 = arith.cmpi eq, %min3A_199, %eq3A_276 : vector<16xi32>
      %select_n3A_278 = arith.select %eq3A_277, %broadcast_in_dim3A_3, %get3A_77 : vector<16xi1>, vector<16xf32>
      %max3A_279 = arith.maximumf %max3A_274, %select_n3A_278 : vector<16xf32>
      %eq3A_280 = arith.cmpf oeq, %get3A_17, %max3A_279 : vector<16xf32>
      %ne3A = arith.constant 0 : i32
      %ne3A_281 = vector.broadcast %ne3A : i32 to vector<16xi32>
      %ne3A_282 = arith.cmpi ne, %min3A_199, %ne3A_281 : vector<16xi32>
      %and3A = arith.andi %eq3A_280, %ne3A_282 : vector<16xi1>
      %jit3A_283 = arith.constant 0 : i32
      %jit3A_284 = arith.constant 16 : i32
      %broadcast_in_dim3A_285 = vector.broadcast %jit3A_283 : i32 to vector<16xi32>
      %broadcast_in_dim3A_286 = vector.broadcast %jit3A_284 : i32 to vector<16xi32>
      %select_n3A_287 = arith.select %and3A, %broadcast_in_dim3A_285, %broadcast_in_dim3A_286 : vector<16xi1>, vector<16xi32>
      %min3A_288 = arith.minsi %broadcast_in_dim3A_5, %select_n3A_287 : vector<16xi32>
      %eq3A_289 = arith.cmpf oeq, %get3A_21, %max3A_279 : vector<16xf32>
      %ne3A_290 = arith.constant 1 : i32
      %ne3A_291 = vector.broadcast %ne3A_290 : i32 to vector<16xi32>
      %ne3A_292 = arith.cmpi ne, %min3A_199, %ne3A_291 : vector<16xi32>
      %and3A_293 = arith.andi %eq3A_289, %ne3A_292 : vector<16xi1>
      %jit3A_294 = arith.constant 1 : i32
      %jit3A_295 = arith.constant 16 : i32
      %broadcast_in_dim3A_296 = vector.broadcast %jit3A_294 : i32 to vector<16xi32>
      %broadcast_in_dim3A_297 = vector.broadcast %jit3A_295 : i32 to vector<16xi32>
      %select_n3A_298 = arith.select %and3A_293, %broadcast_in_dim3A_296, %broadcast_in_dim3A_297 : vector<16xi1>, vector<16xi32>
      %min3A_299 = arith.minsi %min3A_288, %select_n3A_298 : vector<16xi32>
      %eq3A_300 = arith.cmpf oeq, %get3A_25, %max3A_279 : vector<16xf32>
      %ne3A_301 = arith.constant 2 : i32
      %ne3A_302 = vector.broadcast %ne3A_301 : i32 to vector<16xi32>
      %ne3A_303 = arith.cmpi ne, %min3A_199, %ne3A_302 : vector<16xi32>
      %and3A_304 = arith.andi %eq3A_300, %ne3A_303 : vector<16xi1>
      %jit3A_305 = arith.constant 2 : i32
      %jit3A_306 = arith.constant 16 : i32
      %broadcast_in_dim3A_307 = vector.broadcast %jit3A_305 : i32 to vector<16xi32>
      %broadcast_in_dim3A_308 = vector.broadcast %jit3A_306 : i32 to vector<16xi32>
      %select_n3A_309 = arith.select %and3A_304, %broadcast_in_dim3A_307, %broadcast_in_dim3A_308 : vector<16xi1>, vector<16xi32>
      %min3A_310 = arith.minsi %min3A_299, %select_n3A_309 : vector<16xi32>
      %eq3A_311 = arith.cmpf oeq, %get3A_29, %max3A_279 : vector<16xf32>
      %ne3A_312 = arith.constant 3 : i32
      %ne3A_313 = vector.broadcast %ne3A_312 : i32 to vector<16xi32>
      %ne3A_314 = arith.cmpi ne, %min3A_199, %ne3A_313 : vector<16xi32>
      %and3A_315 = arith.andi %eq3A_311, %ne3A_314 : vector<16xi1>
      %jit3A_316 = arith.constant 3 : i32
      %jit3A_317 = arith.constant 16 : i32
      %broadcast_in_dim3A_318 = vector.broadcast %jit3A_316 : i32 to vector<16xi32>
      %broadcast_in_dim3A_319 = vector.broadcast %jit3A_317 : i32 to vector<16xi32>
      %select_n3A_320 = arith.select %and3A_315, %broadcast_in_dim3A_318, %broadcast_in_dim3A_319 : vector<16xi1>, vector<16xi32>
      %min3A_321 = arith.minsi %min3A_310, %select_n3A_320 : vector<16xi32>
      %eq3A_322 = arith.cmpf oeq, %get3A_33, %max3A_279 : vector<16xf32>
      %ne3A_323 = arith.constant 4 : i32
      %ne3A_324 = vector.broadcast %ne3A_323 : i32 to vector<16xi32>
      %ne3A_325 = arith.cmpi ne, %min3A_199, %ne3A_324 : vector<16xi32>
      %and3A_326 = arith.andi %eq3A_322, %ne3A_325 : vector<16xi1>
      %jit3A_327 = arith.constant 4 : i32
      %jit3A_328 = arith.constant 16 : i32
      %broadcast_in_dim3A_329 = vector.broadcast %jit3A_327 : i32 to vector<16xi32>
      %broadcast_in_dim3A_330 = vector.broadcast %jit3A_328 : i32 to vector<16xi32>
      %select_n3A_331 = arith.select %and3A_326, %broadcast_in_dim3A_329, %broadcast_in_dim3A_330 : vector<16xi1>, vector<16xi32>
      %min3A_332 = arith.minsi %min3A_321, %select_n3A_331 : vector<16xi32>
      %eq3A_333 = arith.cmpf oeq, %get3A_37, %max3A_279 : vector<16xf32>
      %ne3A_334 = arith.constant 5 : i32
      %ne3A_335 = vector.broadcast %ne3A_334 : i32 to vector<16xi32>
      %ne3A_336 = arith.cmpi ne, %min3A_199, %ne3A_335 : vector<16xi32>
      %and3A_337 = arith.andi %eq3A_333, %ne3A_336 : vector<16xi1>
      %jit3A_338 = arith.constant 5 : i32
      %jit3A_339 = arith.constant 16 : i32
      %broadcast_in_dim3A_340 = vector.broadcast %jit3A_338 : i32 to vector<16xi32>
      %broadcast_in_dim3A_341 = vector.broadcast %jit3A_339 : i32 to vector<16xi32>
      %select_n3A_342 = arith.select %and3A_337, %broadcast_in_dim3A_340, %broadcast_in_dim3A_341 : vector<16xi1>, vector<16xi32>
      %min3A_343 = arith.minsi %min3A_332, %select_n3A_342 : vector<16xi32>
      %eq3A_344 = arith.cmpf oeq, %get3A_41, %max3A_279 : vector<16xf32>
      %ne3A_345 = arith.constant 6 : i32
      %ne3A_346 = vector.broadcast %ne3A_345 : i32 to vector<16xi32>
      %ne3A_347 = arith.cmpi ne, %min3A_199, %ne3A_346 : vector<16xi32>
      %and3A_348 = arith.andi %eq3A_344, %ne3A_347 : vector<16xi1>
      %jit3A_349 = arith.constant 6 : i32
      %jit3A_350 = arith.constant 16 : i32
      %broadcast_in_dim3A_351 = vector.broadcast %jit3A_349 : i32 to vector<16xi32>
      %broadcast_in_dim3A_352 = vector.broadcast %jit3A_350 : i32 to vector<16xi32>
      %select_n3A_353 = arith.select %and3A_348, %broadcast_in_dim3A_351, %broadcast_in_dim3A_352 : vector<16xi1>, vector<16xi32>
      %min3A_354 = arith.minsi %min3A_343, %select_n3A_353 : vector<16xi32>
      %eq3A_355 = arith.cmpf oeq, %get3A_45, %max3A_279 : vector<16xf32>
      %ne3A_356 = arith.constant 7 : i32
      %ne3A_357 = vector.broadcast %ne3A_356 : i32 to vector<16xi32>
      %ne3A_358 = arith.cmpi ne, %min3A_199, %ne3A_357 : vector<16xi32>
      %and3A_359 = arith.andi %eq3A_355, %ne3A_358 : vector<16xi1>
      %jit3A_360 = arith.constant 7 : i32
      %jit3A_361 = arith.constant 16 : i32
      %broadcast_in_dim3A_362 = vector.broadcast %jit3A_360 : i32 to vector<16xi32>
      %broadcast_in_dim3A_363 = vector.broadcast %jit3A_361 : i32 to vector<16xi32>
      %select_n3A_364 = arith.select %and3A_359, %broadcast_in_dim3A_362, %broadcast_in_dim3A_363 : vector<16xi1>, vector<16xi32>
      %min3A_365 = arith.minsi %min3A_354, %select_n3A_364 : vector<16xi32>
      %eq3A_366 = arith.cmpf oeq, %get3A_49, %max3A_279 : vector<16xf32>
      %ne3A_367 = arith.constant 8 : i32
      %ne3A_368 = vector.broadcast %ne3A_367 : i32 to vector<16xi32>
      %ne3A_369 = arith.cmpi ne, %min3A_199, %ne3A_368 : vector<16xi32>
      %and3A_370 = arith.andi %eq3A_366, %ne3A_369 : vector<16xi1>
      %jit3A_371 = arith.constant 8 : i32
      %jit3A_372 = arith.constant 16 : i32
      %broadcast_in_dim3A_373 = vector.broadcast %jit3A_371 : i32 to vector<16xi32>
      %broadcast_in_dim3A_374 = vector.broadcast %jit3A_372 : i32 to vector<16xi32>
      %select_n3A_375 = arith.select %and3A_370, %broadcast_in_dim3A_373, %broadcast_in_dim3A_374 : vector<16xi1>, vector<16xi32>
      %min3A_376 = arith.minsi %min3A_365, %select_n3A_375 : vector<16xi32>
      %eq3A_377 = arith.cmpf oeq, %get3A_53, %max3A_279 : vector<16xf32>
      %ne3A_378 = arith.constant 9 : i32
      %ne3A_379 = vector.broadcast %ne3A_378 : i32 to vector<16xi32>
      %ne3A_380 = arith.cmpi ne, %min3A_199, %ne3A_379 : vector<16xi32>
      %and3A_381 = arith.andi %eq3A_377, %ne3A_380 : vector<16xi1>
      %jit3A_382 = arith.constant 9 : i32
      %jit3A_383 = arith.constant 16 : i32
      %broadcast_in_dim3A_384 = vector.broadcast %jit3A_382 : i32 to vector<16xi32>
      %broadcast_in_dim3A_385 = vector.broadcast %jit3A_383 : i32 to vector<16xi32>
      %select_n3A_386 = arith.select %and3A_381, %broadcast_in_dim3A_384, %broadcast_in_dim3A_385 : vector<16xi1>, vector<16xi32>
      %min3A_387 = arith.minsi %min3A_376, %select_n3A_386 : vector<16xi32>
      %eq3A_388 = arith.cmpf oeq, %get3A_57, %max3A_279 : vector<16xf32>
      %ne3A_389 = arith.constant 10 : i32
      %ne3A_390 = vector.broadcast %ne3A_389 : i32 to vector<16xi32>
      %ne3A_391 = arith.cmpi ne, %min3A_199, %ne3A_390 : vector<16xi32>
      %and3A_392 = arith.andi %eq3A_388, %ne3A_391 : vector<16xi1>
      %jit3A_393 = arith.constant 10 : i32
      %jit3A_394 = arith.constant 16 : i32
      %broadcast_in_dim3A_395 = vector.broadcast %jit3A_393 : i32 to vector<16xi32>
      %broadcast_in_dim3A_396 = vector.broadcast %jit3A_394 : i32 to vector<16xi32>
      %select_n3A_397 = arith.select %and3A_392, %broadcast_in_dim3A_395, %broadcast_in_dim3A_396 : vector<16xi1>, vector<16xi32>
      %min3A_398 = arith.minsi %min3A_387, %select_n3A_397 : vector<16xi32>
      %eq3A_399 = arith.cmpf oeq, %get3A_61, %max3A_279 : vector<16xf32>
      %ne3A_400 = arith.constant 11 : i32
      %ne3A_401 = vector.broadcast %ne3A_400 : i32 to vector<16xi32>
      %ne3A_402 = arith.cmpi ne, %min3A_199, %ne3A_401 : vector<16xi32>
      %and3A_403 = arith.andi %eq3A_399, %ne3A_402 : vector<16xi1>
      %jit3A_404 = arith.constant 11 : i32
      %jit3A_405 = arith.constant 16 : i32
      %broadcast_in_dim3A_406 = vector.broadcast %jit3A_404 : i32 to vector<16xi32>
      %broadcast_in_dim3A_407 = vector.broadcast %jit3A_405 : i32 to vector<16xi32>
      %select_n3A_408 = arith.select %and3A_403, %broadcast_in_dim3A_406, %broadcast_in_dim3A_407 : vector<16xi1>, vector<16xi32>
      %min3A_409 = arith.minsi %min3A_398, %select_n3A_408 : vector<16xi32>
      %eq3A_410 = arith.cmpf oeq, %get3A_65, %max3A_279 : vector<16xf32>
      %ne3A_411 = arith.constant 12 : i32
      %ne3A_412 = vector.broadcast %ne3A_411 : i32 to vector<16xi32>
      %ne3A_413 = arith.cmpi ne, %min3A_199, %ne3A_412 : vector<16xi32>
      %and3A_414 = arith.andi %eq3A_410, %ne3A_413 : vector<16xi1>
      %jit3A_415 = arith.constant 12 : i32
      %jit3A_416 = arith.constant 16 : i32
      %broadcast_in_dim3A_417 = vector.broadcast %jit3A_415 : i32 to vector<16xi32>
      %broadcast_in_dim3A_418 = vector.broadcast %jit3A_416 : i32 to vector<16xi32>
      %select_n3A_419 = arith.select %and3A_414, %broadcast_in_dim3A_417, %broadcast_in_dim3A_418 : vector<16xi1>, vector<16xi32>
      %min3A_420 = arith.minsi %min3A_409, %select_n3A_419 : vector<16xi32>
      %eq3A_421 = arith.cmpf oeq, %get3A_69, %max3A_279 : vector<16xf32>
      %ne3A_422 = arith.constant 13 : i32
      %ne3A_423 = vector.broadcast %ne3A_422 : i32 to vector<16xi32>
      %ne3A_424 = arith.cmpi ne, %min3A_199, %ne3A_423 : vector<16xi32>
      %and3A_425 = arith.andi %eq3A_421, %ne3A_424 : vector<16xi1>
      %jit3A_426 = arith.constant 13 : i32
      %jit3A_427 = arith.constant 16 : i32
      %broadcast_in_dim3A_428 = vector.broadcast %jit3A_426 : i32 to vector<16xi32>
      %broadcast_in_dim3A_429 = vector.broadcast %jit3A_427 : i32 to vector<16xi32>
      %select_n3A_430 = arith.select %and3A_425, %broadcast_in_dim3A_428, %broadcast_in_dim3A_429 : vector<16xi1>, vector<16xi32>
      %min3A_431 = arith.minsi %min3A_420, %select_n3A_430 : vector<16xi32>
      %eq3A_432 = arith.cmpf oeq, %get3A_73, %max3A_279 : vector<16xf32>
      %ne3A_433 = arith.constant 14 : i32
      %ne3A_434 = vector.broadcast %ne3A_433 : i32 to vector<16xi32>
      %ne3A_435 = arith.cmpi ne, %min3A_199, %ne3A_434 : vector<16xi32>
      %and3A_436 = arith.andi %eq3A_432, %ne3A_435 : vector<16xi1>
      %jit3A_437 = arith.constant 14 : i32
      %jit3A_438 = arith.constant 16 : i32
      %broadcast_in_dim3A_439 = vector.broadcast %jit3A_437 : i32 to vector<16xi32>
      %broadcast_in_dim3A_440 = vector.broadcast %jit3A_438 : i32 to vector<16xi32>
      %select_n3A_441 = arith.select %and3A_436, %broadcast_in_dim3A_439, %broadcast_in_dim3A_440 : vector<16xi1>, vector<16xi32>
      %min3A_442 = arith.minsi %min3A_431, %select_n3A_441 : vector<16xi32>
      %eq3A_443 = arith.cmpf oeq, %get3A_77, %max3A_279 : vector<16xf32>
      %ne3A_444 = arith.constant 15 : i32
      %ne3A_445 = vector.broadcast %ne3A_444 : i32 to vector<16xi32>
      %ne3A_446 = arith.cmpi ne, %min3A_199, %ne3A_445 : vector<16xi32>
      %and3A_447 = arith.andi %eq3A_443, %ne3A_446 : vector<16xi1>
      %jit3A_448 = arith.constant 15 : i32
      %jit3A_449 = arith.constant 16 : i32
      %broadcast_in_dim3A_450 = vector.broadcast %jit3A_448 : i32 to vector<16xi32>
      %broadcast_in_dim3A_451 = vector.broadcast %jit3A_449 : i32 to vector<16xi32>
      %select_n3A_452 = arith.select %and3A_447, %broadcast_in_dim3A_450, %broadcast_in_dim3A_451 : vector<16xi1>, vector<16xi32>
      %min3A_453 = arith.minsi %min3A_442, %select_n3A_452 : vector<16xi32>
      %sub3A = arith.subf %max3A_279, %max3A_91 : vector<16xf32>
      %exp3A = math.exp %sub3A : vector<16xf32>
      %add3A_454 = arith.constant 1.000000e+00 : f32
      %add3A_455 = vector.broadcast %add3A_454 : f32 to vector<16xf32>
      %add3A_456 = arith.addf %add3A_455, %exp3A : vector<16xf32>
      %div3A = arith.constant 1.000000e+00 : f32
      %div3A_457 = vector.broadcast %div3A : f32 to vector<16xf32>
      %div3A_458 = arith.divf %div3A_457, %add3A_456 : vector<16xf32>
      %mul3A_459 = arith.mulf %exp3A, %div3A_458 : vector<16xf32>
      %swap3A = arith.constant 0 : i32
      %swap3A_460 = arith.index_cast %swap3A : i32 to index
      %swap3A_461 = arith.index_cast %add3A_14 : i32 to index
      %swap3A_462 = tpu.vector_load %arg6[%swap3A_460, %swap3A_461] {strides = array<i32>} : memref<2x512xf32, #tpu.memory_space<vmem>>, vector<16xf32>,
      tpu.vector_store %arg6[%swap3A_460, %swap3A_461], %div3A_458 {strides = array<i32>} : memref<2x512xf32, #tpu.memory_space<vmem>>, vector<16xf32>,
      %swap3A_463 = arith.constant 1 : i32
      %swap3A_464 = arith.index_cast %swap3A_463 : i32 to index
      %swap3A_465 = arith.index_cast %add3A_14 : i32 to index
      %swap3A_466 = tpu.vector_load %arg6[%swap3A_464, %swap3A_465] {strides = array<i32>} : memref<2x512xf32, #tpu.memory_space<vmem>>, vector<16xf32>,
      tpu.vector_store %arg6[%swap3A_464, %swap3A_465], %mul3A_459 {strides = array<i32>} : memref<2x512xf32, #tpu.memory_space<vmem>>, vector<16xf32>,
      %swap3A_467 = arith.constant 0 : i32
      %swap3A_468 = arith.index_cast %swap3A_467 : i32 to index
      %swap3A_469 = arith.index_cast %add3A_14 : i32 to index
      %swap3A_470 = tpu.vector_load %arg7[%swap3A_468, %swap3A_469] {strides = array<i32>} : memref<2x512xi32, #tpu.memory_space<vmem>>, vector<16xi32>,
      tpu.vector_store %arg7[%swap3A_468, %swap3A_469], %min3A_199 {strides = array<i32>} : memref<2x512xi32, #tpu.memory_space<vmem>>, vector<16xi32>,
      %swap3A_471 = arith.constant 1 : i32
      %swap3A_472 = arith.index_cast %swap3A_471 : i32 to index
      %swap3A_473 = arith.index_cast %add3A_14 : i32 to index
      %swap3A_474 = tpu.vector_load %arg7[%swap3A_472, %swap3A_473] {strides = array<i32>} : memref<2x512xi32, #tpu.memory_space<vmem>>, vector<16xi32>,
      tpu.vector_store %arg7[%swap3A_472, %swap3A_473], %min3A_453 {strides = array<i32>} : memref<2x512xi32, #tpu.memory_space<vmem>>, vector<16xi32>,
    }
    %scan3A_9 = arith.constant 32 : i32
    "tpu.region"() ({
      %run_scoped3A = tpu.sem_alloc : memref<!tpu.dma_semaphore, #tpu.memory_space<semaphore_mem>>
      %dma_start3A = arith.constant 0 : i32
      %dma_start3A_10 = tpu.memref_slice %arg3[%dma_start3A, %mul3A_2] : memref<2x16384xf32, #tpu.memory_space<hbm>> -> memref<2x512xf32, #tpu.memory_space<hbm>>
      %dma_start3A_11 = arith.constant 0 : i32
      %dma_start3A_12 = tpu.memref_slice %arg3[%dma_start3A_11, %mul3A_2] : memref<2x16384xf32, #tpu.memory_space<hbm>> -> memref<2x512xf32, #tpu.memory_space<hbm>>
      tpu.enqueue_dma source(%arg6 : memref<2x512xf32, #tpu.memory_space<vmem>>) target(%dma_start3A_12 : memref<2x512xf32, #tpu.memory_space<hbm>>) target_semaphore(%run_scoped3A : memref<!tpu.dma_semaphore, #tpu.memory_space<semaphore_mem>>)
      %dma_wait3A = arith.constant 0 : i32
      %dma_wait3A_13 = tpu.memref_slice %arg3[%dma_wait3A, %mul3A_2] : memref<2x16384xf32, #tpu.memory_space<hbm>> -> memref<2x512xf32, #tpu.memory_space<hbm>>
      %dma_wait3A_14 = arith.constant 0 : i32
      %dma_wait3A_15 = tpu.memref_slice %arg3[%dma_wait3A_14, %mul3A_2] : memref<2x16384xf32, #tpu.memory_space<hbm>> -> memref<2x512xf32, #tpu.memory_space<hbm>>
      tpu.wait_dma2 semaphore(%run_scoped3A : memref<!tpu.dma_semaphore, #tpu.memory_space<semaphore_mem>>) src(%arg6 : memref<2x512xf32, #tpu.memory_space<vmem>>) dst(%dma_wait3A_15 : memref<2x512xf32, #tpu.memory_space<hbm>>)
      tpu.yield
    }) : () -> ()
    "tpu.region"() ({
      %run_scoped3A = tpu.sem_alloc : memref<!tpu.dma_semaphore, #tpu.memory_space<semaphore_mem>>
      %dma_start3A = arith.constant 0 : i32
      %dma_start3A_10 = tpu.memref_slice %arg4[%dma_start3A, %mul3A_2] : memref<2x16384xi32, #tpu.memory_space<hbm>> -> memref<2x512xi32, #tpu.memory_space<hbm>>
      %dma_start3A_11 = arith.constant 0 : i32
      %dma_start3A_12 = tpu.memref_slice %arg4[%dma_start3A_11, %mul3A_2] : memref<2x16384xi32, #tpu.memory_space<hbm>> -> memref<2x512xi32, #tpu.memory_space<hbm>>
      tpu.enqueue_dma source(%arg7 : memref<2x512xi32, #tpu.memory_space<vmem>>) target(%dma_start3A_12 : memref<2x512xi32, #tpu.memory_space<hbm>>) target_semaphore(%run_scoped3A : memref<!tpu.dma_semaphore, #tpu.memory_space<semaphore_mem>>)
      %dma_wait3A = arith.constant 0 : i32
      %dma_wait3A_13 = tpu.memref_slice %arg4[%dma_wait3A, %mul3A_2] : memref<2x16384xi32, #tpu.memory_space<hbm>> -> memref<2x512xi32, #tpu.memory_space<hbm>>
      %dma_wait3A_14 = arith.constant 0 : i32
      %dma_wait3A_15 = tpu.memref_slice %arg4[%dma_wait3A_14, %mul3A_2] : memref<2x16384xi32, #tpu.memory_space<hbm>> -> memref<2x512xi32, #tpu.memory_space<hbm>>
      tpu.wait_dma2 semaphore(%run_scoped3A : memref<!tpu.dma_semaphore, #tpu.memory_space<semaphore_mem>>) src(%arg7 : memref<2x512xi32, #tpu.memory_space<vmem>>) dst(%dma_wait3A_15 : memref<2x512xi32, #tpu.memory_space<hbm>>)
      tpu.yield
    }) : () -> ()
    return
  }
}

module attributes {stable_mosaic.version = 14 : i64} {
  func.func @_tc_logits_body(%arg0: i32, %arg1: memref<16x2048xf32, #tpu.memory_space<vmem>>, %arg2: memref<1024x2048xf32, #tpu.memory_space<vmem>>, %arg3: memref<16x1024xf32, #tpu.memory_space<vmem>>) attributes {dimension_semantics = [#tpu.dimension_semantics<arbitrary>], iteration_bounds = array<i64: 16>, scalar_prefetch = 0 : i64, scratch_operands = 0 : i64, tpu.core_type = #tpu.core_type<tc>, window_params = [{pipeline_mode = #tpu.pipeline_mode<synchronous>, transform_indices = @transform_0, window_bounds = array<i64: 16, 2048>}, {transform_indices = @transform_1, window_bounds = array<i64: 1024, 2048>}, {transform_indices = @transform_2, window_bounds = array<i64: 16, 1024>}]} {
    %get3A = arith.constant 0 : index
    %get3A_0 = arith.constant 0 : index
    %get3A_1 = vector.load %arg1[%get3A, %get3A_0] : memref<16x2048xf32, #tpu.memory_space<vmem>>, vector<16x2048xf32>
    %get3A_2 = arith.constant 0 : index
    %get3A_3 = arith.constant 0 : index
    %get3A_4 = vector.load %arg2[%get3A_2, %get3A_3] : memref<1024x2048xf32, #tpu.memory_space<vmem>>, vector<1024x2048xf32>
    %dot_general3A = arith.constant dense<0.000000e+00> : vector<16x1024xf32>
    %dot_general3A_5 = tpu.matmul %get3A_1, %get3A_4, %dot_general3A {dimension_numbers = #tpu.dot_dimension_numbers<[1], [1], [0], [0], [0, 0, 1, 0], [], []>, transpose_lhs_hint = false} : vector<16x2048xf32>, vector<1024x2048xf32>, vector<16x1024xf32> -> vector<16x1024xf32>
    %swap3A = arith.constant 0 : index
    %swap3A_6 = arith.constant 0 : index
    %swap3A_7 = vector.load %arg3[%swap3A, %swap3A_6] : memref<16x1024xf32, #tpu.memory_space<vmem>>, vector<16x1024xf32>
    tpu.vector_store %arg3[%swap3A, %swap3A_6], %dot_general3A_5 {strides = array<i32>} : memref<16x1024xf32, #tpu.memory_space<vmem>>, vector<16x1024xf32>,
    return
  }
  func.func @transform_0(%arg0: i32) -> (i32, i32) {
    %c0_i32 = arith.constant 0 : i32
    %c0_i32_0 = arith.constant 0 : i32
    %c0_i32_1 = arith.constant 0 : i32
    return %c0_i32, %c0_i32_0 : i32, i32
  }
  func.func @transform_1(%arg0: i32) -> (i32, i32) {
    %add3A = arith.constant 0 : i32
    %add3A_0 = arith.addi %arg0, %add3A : i32
    %c0_i32 = arith.constant 0 : i32
    %c0_i32_1 = arith.constant 0 : i32
    return %add3A_0, %c0_i32 : i32, i32
  }
  func.func @transform_2(%arg0: i32) -> (i32, i32) {
    %c0_i32 = arith.constant 0 : i32
    %c0_i32_0 = arith.constant 0 : i32
    return %c0_i32, %arg0 : i32, i32
  }
}

</mosaic_0001>

<sc_bundles>
// kernel: kernel.4.cloned.1.call-start
scs
__scs_entry_jumppad:
0x0: {  	(pc) =	sbr.rel $0x88, $3  }
0x1: {  	(tag) =	ssettag $0x0;
	lr =	simm.s32 $0x1  }
0x2: {  	[smem:$0x3F9F] =	sst lr;
	_ =	strace $0xD0000000  }
0x3: {  	_ = 	snop  }
0x4: {  	_ = 	snop  }
0x5: {  	_ = 	snop  }
0x6: {  	_ = 	snop  }
0x7: {  	_ = 	snop  }
__scs_overlays_trampoline_lowered:
0x8: {  	[smem:$0x3FAE] =	sst s0  }
0x9: {  	[smem:$0x3FAF] =	sst s1  }
0xa: {  	[smem:$0x3FB0] =	sst s2  }
0xb: {  	[smem:$0x3FB1] =	sst s3  }
0xc: {  	[smem:$0x3FB2] =	sst s4  }
0xd: {  	[smem:$0x3FB3] =	sst s5  }
0xe: {  	[smem:$0x3FB4] =	sst s6  }
0xf: {  	[smem:$0x3FB5] =	sst s7  }
0x10: {  	[smem:$0x3FB6] =	sst s8  }
0x11: {  	[smem:$0x3FB7] =	sst s9;
	s0 =	simm.s32 @!p0 $0x0  }
0x12: {  	s1 =	sld [smem:$0x3F9D];
	s0 =	simm.s32 @p0 $0x1  }
0x13: {  	[smem:$0x3FB8] =	sst s0;
	s0 =	simm.s32 @!p1 $0x0  }
0x14: {  	s2 =	sld [smem:$0x3F9C];
	s0 =	simm.s32 @p1 $0x1  }
0x15: {  	[smem:$0x3FB9] =	sst s0;
	s0 =	simm.s32 @!p2 $0x0  }
0x16: {  	s3 =	sld [smem:$0x3FDB];
	s0 =	simm.s32 @p2 $0x1  }
0x17: {  	s4 =	simm.s32 $0x1BF5;
	[smem:$0x3FBB] =	sst s0  }
0x18: {  	s0 =	sld [smem:$0x3F9E];
	_ =	swait.ge [sflag:s4], $0x0  }
0x19: {  	s7 =	sld [smem:$0x3F9F]  }
0x1a: {  	s8 =	sadd.s32 $0xFFFFE003, lr  }
0x1b: {  	s9 =	sadd.s32 $0xFFFFFEF7, lr;
	s5 =	simm.s32 $0xFFFFFFFF;
	p2 =	slt.u32 s8, $0xFFFFF086  }
0x1c: {  	p1 =	slt.u32 s9, $0xF7A;
	s5 =	simm.s32 @!p2 $0x0  }
0x1d: {  	s5 =	simm.s32 @p1 $0x1;
	p0 =	seq.s32 s7, s2  }
0x1e: {  	s7 =	smul.u32 @!p0 $0xF7A, s2;
	p2 =	seq.s32 @!p0 s5, $0x0  }
0x1f: {  	s9 =	smul.u32 $0xF7A, s1;
	s8 =	simm.s32 @!p0 $0x1BF5;
	p2 =	por !p2, p0  }
0x20: {  	[sflag:s8] =	ssyncset.s32 @!p0 $0xFFFFF086;
	s6 =	sadd.s32 @!p0 s3, s7;
	s7 =	simm.s32 @!p0 $0x108  }
0x21: {  	s3 =	sadd.s32 s3, s9;
	s6 =	sadd.s32 @!p0 $0x88, s6;
	s7 =	simm.s32 @p2 $0x1082  }
0x22: {  	[simem:s7], [sflag:s8] =	dma.local @!p0 [hbm:s6], $0xF7A  }
0x23: {  	s9 =	sor.u32 $0xD0000000, s2;
	s6 =	simm.s32 $0x108;
	_ =	swait.ge @!p0 [sflag:s8], $0x0  }
0x24: {  	s3 =	sadd.s32 $0x88, s3;
	s6 =	simm.s32 @!p1 $0x1082;
	[sflag:s4] =	ssyncset.s32 $0xFFFFF086  }
0x25: {  	[simem:s6], [sflag:s4] =	dma.local [hbm:s3], $0xF7A  }
0x26: {  	[smem:$0x3F9F] =	sst s1;
	(tag) =	ssettag s2;
	_ =	strace s9  }
0x27: {  	s1 =	sld [smem:$0x3FAF]  }
0x28: {  	s2 =	sld [smem:$0x3FB0]  }
0x29: {  	s4 =	sld [smem:$0x3FB2]  }
0x2a: {  	p0 =	seq.s32 s5, $0x0;
	s5 =	sld [smem:$0x3FB3]  }
0x2b: {  	s6 =	sld [smem:$0x3FB4]  }
0x2c: {  	s7 =	sld [smem:$0x3FB5]  }
0x2d: {  	s3 =	simm.s32 $0x108;
	s8 =	sld [smem:$0x3FB6]  }
0x2e: {  	s3 =	simm.s32 @!p0 $0x1082;
	s9 =	sld [smem:$0x3FB7]  }
0x2f: {  	lr =	sadd.s32 s0, s3;
	s0 =	sld [smem:$0x3FAE]  }
0x30: {  	s3 =	sld [smem:$0x3FB1]  }
0x31: {  	[smem:$0x3FBA] =	sst s10  }
0x32: {  	s10 =	sld [smem:$0x3FB8];
	_ =	sdelay $0x3  }
0x33: {  	p0 =	seq.s32 s10, $0x1;
	s10 =	sld [smem:$0x3FBA];
	_ =	sdelay $0x3  }
0x34: {  	[smem:$0x3FBA] =	sst s10  }
0x35: {  	s10 =	sld [smem:$0x3FB9];
	_ =	sdelay $0x3  }
0x36: {  	p1 =	seq.s32 s10, $0x1;
	s10 =	sld [smem:$0x3FBA];
	_ =	sdelay $0x3  }
0x37: {  	[smem:$0x3FBA] =	sst s10  }
0x38: {  	s10 =	sld [smem:$0x3FBB]  }
0x39: {  	_ = 	snop;
	(pc) =	sbr.ind lr, $3  }
0x3a: {  	_ = 	snop  }
0x3b: {  	_ = 	snop  }
0x3c: {  	p2 =	seq.s32 s10, $0x1;
	s10 =	sld [smem:$0x3FBA]  }
0x3d: {  	_ =	shalt  }
0x3e: {  	_ =	shalt  }
0x3f: {  	_ =	shalt  }
0x40: {  	_ =	shalt  }
0x41: {  	_ =	shalt  }
0x42: {  	_ =	shalt  }
0x43: {  	_ =	shalt  }
0x44: {  	_ =	shalt  }
0x45: {  	_ =	shalt  }
0x46: {  	_ =	shalt  }
0x47: {  	_ =	shalt  }
0x48: {  	_ =	shalt  }
0x49: {  	_ =	shalt  }
0x4a: {  	_ =	shalt  }
0x4b: {  	_ =	shalt  }
0x4c: {  	_ =	shalt  }
0x4d: {  	_ =	shalt  }
0x4e: {  	_ =	shalt  }
0x4f: {  	_ =	shalt  }
0x50: {  	_ =	shalt  }
0x51: {  	_ =	shalt  }
0x52: {  	_ =	shalt  }
0x53: {  	_ =	shalt  }
0x54: {  	_ =	shalt  }
0x55: {  	_ =	shalt  }
0x56: {  	_ =	shalt  }
0x57: {  	_ =	shalt  }
0x58: {  	_ =	shalt  }
0x59: {  	_ =	shalt  }
0x5a: {  	_ =	shalt  }
0x5b: {  	_ =	shalt  }
0x5c: {  	_ =	shalt  }
0x5d: {  	_ =	shalt  }
0x5e: {  	_ =	shalt  }
0x5f: {  	_ =	shalt  }
0x60: {  	_ =	shalt  }
0x61: {  	_ =	shalt  }
0x62: {  	_ =	shalt  }
0x63: {  	_ =	shalt  }
0x64: {  	_ =	shalt  }
0x65: {  	_ =	shalt  }
0x66: {  	_ =	shalt  }
0x67: {  	_ =	shalt  }
0x68: {  	_ =	shalt  }
0x69: {  	_ =	shalt  }
0x6a: {  	_ =	shalt  }
0x6b: {  	_ =	shalt  }
0x6c: {  	_ =	shalt  }
0x6d: {  	_ =	shalt  }
0x6e: {  	_ =	shalt  }
0x6f: {  	_ =	shalt  }
0x70: {  	_ =	shalt  }
0x71: {  	_ =	shalt  }
0x72: {  	_ =	shalt  }
0x73: {  	_ =	shalt  }
0x74: {  	_ =	shalt  }
0x75: {  	_ =	shalt  }
0x76: {  	_ =	shalt  }
0x77: {  	_ =	shalt  }
0x78: {  	_ =	shalt  }
0x79: {  	_ =	shalt  }
0x7a: {  	_ =	shalt  }
0x7b: {  	_ =	shalt  }
0x7c: {  	_ =	shalt  }
0x7d: {  	_ =	shalt  }
0x7e: {  	_ =	shalt  }
0x7f: {  	_ =	shalt  }
0x80: {  	_ =	shalt  }
0x81: {  	_ =	shalt  }
0x82: {  	_ =	shalt  }
0x83: {  	_ =	shalt  }
0x84: {  	_ =	shalt  }
0x85: {  	_ =	shalt  }
0x86: {  	_ =	shalt  }
0x87: {  	_ =	shalt  }
.Lfunc_end0:
.L_simem_size_0:
called_computation_lowered:
.L_overlay_start_0:
0x88: {  	s2 =	sld [smem:$0x3FD9]  }
0x89: {  	s3 =	sld [smem:$0x3FFE];
	_ =	sdelay $0x1  }
0x8a: {  	s1 =	srdreg.scid  }
0x8b: {  	s0 =	sand.u32 $0x1, s1  }
0x8c: {  	s14 =	sshll.u32 s0, $0xA;
	s2 =	sadd.s32 s3, s2  }
0x8d: {  	s2 =	sadd.s32 s2, s14  }
0x8e: {  	[smem:$0x3FC6] =	sst s2  }
0x8f: {  	_ = 	snop  }
0x90: {  	s2 =	sld [smem:$0x3FD0];
	_ =	sdelay $0x2  }
0x91: {  	s15 =	simm.s32 $0xA;
	s4 =	simm.s32 $0x10  }
0x92: {  	[smem:s4], [sflag:s15] =	dma.local [hbm:s2], $0x1  }
0x93: {  	_ =	swait.eq [sflag:s15], $0x1  }
0x94: {  	[sflag:s15] =	ssyncset.done $0x0  }
0x95: {  	s16 =	sld [smem:$0x10];
	[sflag:s15] =	ssyncadd.s32 $0xFFFFFFFF  }
0x96: {  	s17 =	sld [smem:$0x11];
	(tm) =	ssettm $0x1  }
0x97: {  	s18 =	sld [smem:$0x3FFB];
	_ =	sdelay $0x3  }
0x98: {  	_ =	strace s18  }
0x99: {  	s4 =	sld [smem:$0x3FFC];
	_ =	sdelay $0x3  }
0x9a: {  	_ =	strace s4  }
0x9b: {  	s4 =	sld [smem:$0x3FFD];
	_ =	sdelay $0x3  }
0x9c: {  	_ =	strace s4  }
0x9d: {  	_ =	strace $0x8FFFFFFF  }
0x9e: {  	s19 =	sld [smem:$0x3FDB];
	_ =	sdelay $0x1  }
0x9f: {  	s5 =	simm.s32 $_scs_section_size  }
0xa0: {  	s6 =	simm.s32 $_size__tile_overlayer_lowered;
	s7 =	simm.s32 $_tile_overlayer_lowered  }
0xa1: {  	s22 =	simm.s32 $0x1BFF;
	s21 =	sshll.u32 s7, $0x1;
	s4 =	sadd.s32 s5, s19  }
0xa2: {  	s8 =	simm.s32 $0x0;
	s20 =	sshll.u32 s6, $0x1;
	s6 =	sadd.s32 s21, s4  }
0xa3: {  	[timem:s8], [sflag:s22] =	dma.local [hbm:s6], s20  }
0xa4: {  	_ =	swait.ge [sflag:s22], s20  }
0xa5: {  	s5 =	ssub.s32 $0x0, s20;
	[sflag:s22] =	ssyncset.done $0x0  }
0xa6: {  	[sflag:s22] =	ssyncadd.s32 s5;
	_ =	sdelay $0x1  }
0xa7: {  	s23 =	simm.s32 $0x1B8B  }
0xa8: {  	_ =	swait.ge [sflag:s23], $0x1  }
0xa9: {  	[sflag:s23] =	ssyncset.done $0x0  }
0xaa: {  	s25 =	simm.s32 $0x1B8E;
	s24 =	sld [smem:$0x3FFE];
	[sflag:s23] =	ssyncadd.s32 $0xFFFFFFFF  }
0xab: {  	s26 =	simm.s32 $execute0_lowered;
	[smem:$0x3FD2] =	sst s25  }
0xac: {  	s6 =	sshll.u32 s26, $0x1;
	_ =	strace $0x80000046;
	[dreg:$0x1] =	wrdreg $0xFFFFFFFF  }
0xad: {  	s28 =	simm.s32 $_size_execute0_lowered;
	s4 =	sadd.s32 s4, s6;
	[dreg:$0x0] =	wrdreg $0x0  }
0xae: {  	s6 =	sshll.u32 s28, $0x1;
	[dreg:$0x2] =	wrdreg s4  }
0xaf: {  	[dreg:$0x3] =	wrdreg s6  }
0xb0: {  	[dreg:$0x4] =	wrdreg $0xC0  }
0xb1: {  	_ =	task [dreg:s8], $0x5FFFF  }
0xb2: {  	[dreg:$0x1] =	wrdreg $0xFFFFFFFF  }
0xb3: {  	[dreg:$0x0] =	wrdreg $0x60  }
0xb4: {  	[dreg:$0x2] =	wrdreg s24  }
0xb5: {  	[dreg:$0x3] =	wrdreg s16  }
0xb6: {  	[dreg:$0x4] =	wrdreg s17  }
0xb7: {  	[dreg:$0x5] =	wrdreg $0x9  }
0xb8: {  	_ =	task.clear_ibuf [dreg:s8], $0x6FFFF;
	_ =	strace $0x90000046  }
0xb9: {  	s29 =	simm.s32 $0x9;
	_ =	strace $0x80000048  }
0xba: {  	_ =	swait.ge [sflag:s29], $0x1  }
0xbb: {  	[sflag:s29] =	ssyncadd.s32 $0xFFFFFFFF  }
0xbc: {  	_ =	strace $0x90000048  }
0xbd: {  	_ =	sfence  }
0xbe: {  	s30 =	sld [smem:$0x0];
	_ =	sdelay $0x2  }
0xbf: {  	s31 =	sshll.u32 s1, $0xD;
	s1 =	sshrl.u32 s1, $0x2  }
0xc0: {  	s3 =	sand.u32 $0x4000, s31;
	s1 =	sadd.s32 s1, s30  }
0xc1: {  	s0 =	sor.u32 s3, s0;
	s1 =	sshll.u32 s1, $0x11  }
0xc2: {  	s0 =	sor.u32 s1, s0  }
0xc3: {  	s0 =	sadd.s32 $0x8F2B, s0  }
0xc4: {  	[sflag:s0] =	ssyncadd.remote.s32 $0x1  }
0xc5: {  	_ =	sfence.sel $0xFFFF  }
0xc6: {  	[dreg:$0x0] =	wrdreg $0xFFFFFFFF;
	(pc) =	sbr.abs _section_cstart, $3  }
0xc7: {  	[dreg:$0x1] =	wrdreg $0xFFFFFFFF  }
0xc8: {  	_ =	task.clear_ibuf [dreg:s8], $0x2FFFF;
	_ =	strace $0x9FFFFFFF  }
0xc9: {  	(tm) =	ssettm $0x7FFFFFFF  }
tec
execute0_lowered:
.L_overlay_start_1:
0x0: {  	(tag) =	ssettag $0x1  }
0x1: {  	s3 =	rddreg [dreg:$0x0]  }
0x2: {  	s4 =	rddreg [dreg:$0x1]  }
0x3: {  	s5 =	rddreg [dreg:$0x2];
	s2 =	srdreg.scid  }
0x4: {  	s0 =	rddreg [dreg:$0x3];
	s1 =	stileid.u32;
	s9 =	simm.s32 $0x1  }
0x5: {  	s10 =	simm.s32 $0x2000;
	s11 =	simm.s32 $0x2400;
	s12 =	simm.s32 $0x0  }
0x6: {  	s6 =	sand.u32 $0x1, s2;
	s2 =	simm.s32 $0x0;
	s7 =	sshll.u32 s1, $0xA  }
0x7: {  	s8 =	sshll.u32 s6, $0x9;
	[smem:$0x7FF] =	sst s2;
	s6 =	ssub.s32 $0x2, s6  }
0x8: {  	s7 =	sor.u32 s8, s7;
	_ =	strace $0x80000047;
	s31 =	sshrl.u32 s6, $0x1  }
0x9: {  	s8 =	simm.s32 $0x20000;
	s3 =	sadd.s32 s7, s3;
	s7 =	sshrl.u32 s7, $0x2  }
0xa: {  	s6 =	ssub.s32 s6, s31;
	s3 =	sadd.s32 $0xC00, s3;
	s4 =	sadd.s32 s4, s7  }
0xb: {  	v0 =	vimm.s32 $0x10;
	s5 =	sadd.s32 s5, s7;
	s6 =	smax.u32 s6, $0x1;
	s7 =	simm.s32 $0x1000  }
.LBB2_1:
0xc: {  	[tilespmem:s2], [sflag:$0x1] =	stream.strided.gather [hbm4b:s3+s7], $0x2000, s8, s7, $0x38;
	[tilespmem:$0x2800] =	vst v63  }
0xd: {  	s14 =	simm.s32 $0x0;
	_ =	swait.ge [sflag:s9], $0x2000  }
0xe: {  	s13 =	sand.u32 $0x70, s2;
	s14 =	sand.u32 $0x3FFFFC00, s14;
	[sflag:s9] =	ssyncset.done $0x0  }
0xf: {  	s14 =	sor.u32 s13, s14;
	[sflag:s9] =	ssyncadd.s32 $0xFFFFE000  }
0x10: {  	v2 =	vld [tilespmem:s14+$0x0]  }
0x11: {  	v3 =	vld [tilespmem:s14+$0x80]  }
0x12: {  	v1 =	vld [tilespmem:s14+$0x100]  }
0x13: {  	v4 =	vld [tilespmem:s14+$0x180]  }
0x14: {  	v5 =	vld [tilespmem:s14+$0x200]  }
0x15: {  	v6 =	vld [tilespmem:s14+$0x280]  }
0x16: {  	v7 =	vld [tilespmem:s14+$0x300];
	v9 =	vmax.f32 v2, v3  }
0x17: {  	v8 =	vld [tilespmem:s14+$0x380];
	v10 =	vmax.f32 v9, v1  }
0x18: {  	v9 =	vld [tilespmem:s14+$0x1000];
	v10 =	vmax.f32 v10, v4  }
0x19: {  	v11 =	vld [tilespmem:s14+$0x1080];
	v10 =	vmax.f32 v10, v5  }
0x1a: {  	v12 =	vld [tilespmem:s14+$0x1100];
	v10 =	vmax.f32 v10, v6  }
0x1b: {  	v13 =	vld [tilespmem:s14+$0x1180];
	v10 =	vmax.f32 v10, v7  }
0x1c: {  	v14 =	vld [tilespmem:s14+$0x1200];
	v10 =	vmax.f32 v10, v8  }
0x1d: {  	v15 =	vld [tilespmem:s14+$0x1280];
	v10 =	vmax.f32 v10, v9  }
0x1e: {  	v16 =	vld [tilespmem:s14+$0x1300];
	v10 =	vmax.f32 v10, v11  }
0x1f: {  	v17 =	vld [tilespmem:s14+$0x1380];
	v10 =	vmax.f32 v10, v12  }
0x20: {  	v10 =	vmax.f32 v10, v13  }
0x21: {  	v10 =	vmax.f32 v10, v14  }
0x22: {  	v10 =	vmax.f32 v10, v15  }
0x23: {  	v10 =	vmax.f32 v10, v16  }
0x24: {  	v19 =	vmax.f32 v10, v17  }
0x25: {  	vm0 =	veq.f32 v17, v19  }
0x26: {  	vm1 =	veq.f32 v16, v19;
	v10 =	vsel vm0, $0xF, v0  }
0x27: {  	vm0 =	veq.f32 v15, v19;
	v10 =	vsel vm1, $0xE, v10  }
0x28: {  	vm1 =	veq.f32 v14, v19;
	v10 =	vsel vm0, $0xD, v10  }
0x29: {  	vm0 =	veq.f32 v13, v19;
	v10 =	vsel vm1, $0xC, v10  }
0x2a: {  	vm1 =	veq.f32 v12, v19;
	v10 =	vsel vm0, $0xB, v10  }
0x2b: {  	vm0 =	veq.f32 v11, v19;
	v10 =	vsel vm1, $0xA, v10  }
0x2c: {  	vm1 =	veq.f32 v9, v19;
	v10 =	vsel vm0, $0x9, v10  }
0x2d: {  	vm0 =	veq.f32 v8, v19;
	v10 =	vsel vm1, $0x8, v10  }
0x2e: {  	vm1 =	veq.f32 v7, v19;
	v10 =	vsel vm0, $0x7, v10  }
0x2f: {  	vm0 =	veq.f32 v6, v19;
	v10 =	vsel vm1, $0x6, v10  }
0x30: {  	vm1 =	veq.f32 v5, v19;
	v10 =	vsel vm0, $0x5, v10  }
0x31: {  	vm0 =	veq.f32 v4, v19;
	v10 =	vsel vm1, $0x4, v10  }
0x32: {  	vm1 =	veq.f32 v1, v19;
	v10 =	vsel vm0, $0x3, v10  }
0x33: {  	vm0 =	veq.f32 v3, v19;
	v10 =	vsel vm1, $0x2, v10  }
0x34: {  	vm1 =	veq.f32 v2, v19;
	v10 =	vsel vm0, $0x1, v10  }
0x35: {  	v18 =	vmax.f32 v2, $-3.000000010e+38;
	v10 =	vsel vm1, $0x0, v10  }
0x36: {  	vm0 =	veq.s32 v10, $0x0;
	vm1 =	veq.s32 v10, $0x1;
	vm2 =	veq.s32 v10, $0x2  }
0x37: {  	vm3 =	vne.s32 v10, $0xF;
	v18 =	vsel vm0, $0xFF61B1E6, v18;
	v20 =	vsel vm1, $0xFF61B1E6, v3  }
0x38: {  	v21 =	vsel vm2, $0xFF61B1E6, v1;
	vm0 =	veq.s32 v10, $0x3;
	v18 =	vmax.f32 v18, v20  }
0x39: {  	vm1 =	veq.s32 v10, $0x4;
	v20 =	vsel vm0, $0xFF61B1E6, v4;
	v18 =	vmax.f32 v18, v21  }
0x3a: {  	vm0 =	veq.s32 v10, $0x5;
	v18 =	vmax.f32 v18, v20;
	v20 =	vsel vm1, $0xFF61B1E6, v5  }
0x3b: {  	vm1 =	veq.s32 v10, $0x6;
	v18 =	vmax.f32 v18, v20;
	v20 =	vsel vm0, $0xFF61B1E6, v6  }
0x3c: {  	vm0 =	veq.s32 v10, $0x7;
	v18 =	vmax.f32 v18, v20;
	v20 =	vsel vm1, $0xFF61B1E6, v7  }
0x3d: {  	vm1 =	veq.s32 v10, $0x8;
	v18 =	vmax.f32 v18, v20;
	v20 =	vsel vm0, $0xFF61B1E6, v8  }
0x3e: {  	vm0 =	veq.s32 v10, $0x9;
	v18 =	vmax.f32 v18, v20;
	v20 =	vsel vm1, $0xFF61B1E6, v9  }
0x3f: {  	v60 =	vsel vm0, $0xFF61B1E6, v11;
	vm0 =	veq.s32 v10, $0xA;
	v18 =	vmax.f32 v18, v20  }
0x40: {  	vm1 =	veq.s32 v10, $0xB;
	v20 =	vsel vm0, $0xFF61B1E6, v12;
	v18 =	vmax.f32 v18, v60  }
0x41: {  	vm0 =	veq.s32 v10, $0xC;
	v18 =	vmax.f32 v18, v20;
	v20 =	vsel vm1, $0xFF61B1E6, v13  }
0x42: {  	vm1 =	veq.s32 v10, $0xD;
	v18 =	vmax.f32 v18, v20;
	v20 =	vsel vm0, $0xFF61B1E6, v14  }
0x43: {  	vm0 =	veq.s32 v10, $0xE;
	v18 =	vmax.f32 v18, v20;
	v20 =	vsel vm1, $0xFF61B1E6, v15  }
0x44: {  	vm1 =	veq.s32 v10, $0xF;
	v18 =	vmax.f32 v18, v20;
	v20 =	vsel vm0, $0xFF61B1E6, v16  }
0x45: {  	vm2 =	vne.s32 v10, $0xC;
	v18 =	vmax.f32 v18, v20;
	v20 =	vsel vm1, $0xFF61B1E6, v17  }
0x46: {  	vm0 =	vne.s32 v10, $0xE;
	vm1 =	vne.s32 v10, $0xD;
	v18 =	vmax.f32 v18, v20  }
0x47: {  	vm4 =	veq.f32 v16, v18;
	vm5 =	veq.f32 v17, v18;
	v16 =	vsub.f32 v18, v19  }
0x48: {  	vm6 =	veq.f32 v14, v18;
	vm7 =	veq.f32 v15, v18;
	vm3 =	vmand vm3, vm5  }
0x49: {  	s31 =	simm.s32 $0x0;
	vm4 =	vmand vm0, vm4;
	vm0 =	veq.f32 v13, v18;
	v61 =	vsel vm3, $0xF, v0  }
0x4a: {  	s14 =	sand.u32 $0xFFFFFF00, s31;
	vm1 =	vmand vm1, vm7;
	v62 =	vmul.f32 $1.442695020e+00, v16;
	v63 =	vsel vm4, $0xE, v61  }
0x4b: {  	s16 =	sor.u32 s13, s14;
	vm2 =	vmand vm2, vm6;
	vm3 =	veq.f32 v12, v18;
	v13 =	vsel vm1, $0xD, v63  }
0x4c: {  	s17 =	simm.s32 $0x2;
	s13 =	simm.s32 $0x1;
	s14 =	simm.s32 $0x0;
	[tilespmem:s16+$0x2400] =	vst v10;
	(erf) = vpow2.f32 v62;
	vm1 =	veq.f32 v11, v18;
	v11 =	vsel vm2, $0xC, v13  }
.LBB2_2:
0x4d: {  	s19 =	sshll.u32 s13, $0x7  }
0x4e: {  	vm6 =	veq.f32 v7, v18;
	vm9 =	veq.f32 v8, v18;
	vm12 =	veq.f32 v9, v18;
	s14 =	sadd.s32 $0x10, s14;
	s18 =	smov.u32 s17;
	s15 =	sadd.s32 $0x1, s17  }
0x4f: {  	p0 =	sne.s32 s17, $0x1F;
	vm5 =	veq.f32 v4, v18;
	vm8 =	veq.f32 v5, v18;
	vm10 =	veq.f32 v6, v18;
	s17 =	sand.u32 $0x70, s14;
	s19 =	sand.u32 $0x3FFFFC00, s19  }
0x50: {  	vm2 =	veq.f32 v2, v18;
	vm4 =	veq.f32 v3, v18;
	vm7 =	veq.f32 v1, v18;
	s19 =	sor.u32 s17, s19  }
0x51: {  	vm11 =	vne.s32 v10, $0x4;
	vm13 =	vne.s32 v10, $0xB  }
0x52: {  	vm14 =	vne.s32 v10, $0x6;
	vm15 =	vne.s32 v10, $0xA;
	vm0 =	vmand vm13, vm0  }
0x53: {  	vm13 =	vne.s32 v10, $0x9;
	vm3 =	vmand vm15, vm3;
	v1 =	vsel vm0, $0xB, v11  }
0x54: {  	vm0 =	vne.s32 v10, $0x8;
	vm1 =	vmand vm13, vm1;
	v1 =	vsel vm3, $0xA, v1  }
0x55: {  	vm3 =	vne.s32 v10, $0x7;
	vm0 =	vmand vm0, vm12;
	v1 =	vsel vm1, $0x9, v1;
	v2 =	vpop (erf)  }
0x56: {  	vm1 =	vmand vm3, vm9;
	v1 =	vsel vm0, $0x8, v1;
	v3 =	vadd.f32 $1.000000000e+00, v2  }
0x57: {  	vm3 =	vmand vm14, vm6;
	vm0 =	vne.s32 v10, $0x5;
	v1 =	vsel vm1, $0x7, v1  }
0x58: {  	vm0 =	vmand vm0, vm10;
	v1 =	vsel vm3, $0x6, v1;
	(erf) = vrcp.f32 v3  }
0x59: {  	vm1 =	vne.s32 v10, $0x3;
	vm3 =	vmand vm11, vm8;
	v1 =	vsel vm0, $0x5, v1  }
0x5a: {  	vm1 =	vmand vm1, vm5;
	vm0 =	vne.s32 v10, $0x2;
	v1 =	vsel vm3, $0x4, v1  }
0x5b: {  	vm3 =	vne.s32 v10, $0x1;
	vm0 =	vmand vm0, vm7;
	v1 =	vsel vm1, $0x3, v1  }
0x5c: {  	vm1 =	vne.s32 v10, $0x0;
	vm3 =	vmand vm3, vm4;
	v1 =	vsel vm0, $0x2, v1  }
0x5d: {  	vm0 =	vmand vm1, vm2;
	v1 =	vsel vm3, $0x1, v1  }
0x5e: {  	v1 =	vsel vm0, $0x0, v1  }
0x5f: {  	[tilespmem:s16+$0x2480] =	vst v1;
	_ =	sdelay $0x1  }
0x60: {  	v1 =	vpop (erf)  }
0x61: {  	v2 =	vmul.f32 v1, v2;
	[tilespmem:s16+$0x2000] =	vst v1;
	_ =	sdelay $0x1  }
0x62: {  	[tilespmem:s16+$0x2080] =	vst v2  }
0x63: {  	v1 =	vld [tilespmem:s19+$0x100]  }
0x64: {  	v2 =	vld [tilespmem:s19+$0x0]  }
0x65: {  	v3 =	vld [tilespmem:s19+$0x80]  }
0x66: {  	v4 =	vld [tilespmem:s19+$0x180]  }
0x67: {  	v11 =	vld [tilespmem:s19+$0x1080]  }
0x68: {  	v5 =	vld [tilespmem:s19+$0x200]  }
0x69: {  	v6 =	vld [tilespmem:s19+$0x280]  }
0x6a: {  	v7 =	vld [tilespmem:s19+$0x300];
	v9 =	vmax.f32 v2, v3  }
0x6b: {  	v8 =	vld [tilespmem:s19+$0x380];
	v10 =	vmax.f32 v9, v1  }
0x6c: {  	v9 =	vld [tilespmem:s19+$0x1000];
	v10 =	vmax.f32 v10, v4  }
0x6d: {  	v10 =	vmax.f32 v10, v5  }
0x6e: {  	v12 =	vld [tilespmem:s19+$0x1100];
	v10 =	vmax.f32 v10, v6  }
0x6f: {  	v13 =	vld [tilespmem:s19+$0x1180];
	v10 =	vmax.f32 v10, v7  }
0x70: {  	v14 =	vld [tilespmem:s19+$0x1200];
	v10 =	vmax.f32 v10, v8  }
0x71: {  	v15 =	vld [tilespmem:s19+$0x1280];
	v10 =	vmax.f32 v10, v9  }
0x72: {  	v16 =	vld [tilespmem:s19+$0x1300];
	v10 =	vmax.f32 v10, v11  }
0x73: {  	v17 =	vld [tilespmem:s19+$0x1380];
	v10 =	vmax.f32 v10, v12  }
0x74: {  	v10 =	vmax.f32 v10, v13  }
0x75: {  	v10 =	vmax.f32 v10, v14  }
0x76: {  	v10 =	vmax.f32 v10, v15  }
0x77: {  	v10 =	vmax.f32 v10, v16  }
0x78: {  	v19 =	vmax.f32 v10, v17  }
0x79: {  	vm0 =	veq.f32 v11, v19;
	vm1 =	veq.f32 v16, v19;
	vm2 =	veq.f32 v17, v19  }
0x7a: {  	vm3 =	veq.f32 v7, v19;
	vm4 =	veq.f32 v15, v19;
	v10 =	vsel vm2, $0xF, v0  }
0x7b: {  	vm5 =	veq.f32 v14, v19;
	vm2 =	veq.f32 v6, v19;
	v10 =	vsel vm1, $0xE, v10  }
0x7c: {  	vm6 =	veq.f32 v13, v19;
	vm1 =	veq.f32 v5, v19;
	v10 =	vsel vm4, $0xD, v10  }
0x7d: {  	vm7 =	veq.f32 v12, v19;
	vm4 =	veq.f32 v4, v19;
	v10 =	vsel vm5, $0xC, v10  }
0x7e: {  	vm8 =	veq.f32 v1, v19;
	vm5 =	veq.f32 v3, v19;
	v10 =	vsel vm6, $0xB, v10  }
0x7f: {  	vm9 =	veq.f32 v9, v19;
	vm6 =	veq.f32 v2, v19;
	v10 =	vsel vm7, $0xA, v10  }
0x80: {  	vm7 =	veq.f32 v8, v19;
	v10 =	vsel vm0, $0x9, v10  }
0x81: {  	v10 =	vsel vm9, $0x8, v10  }
0x82: {  	v10 =	vsel vm7, $0x7, v10  }
0x83: {  	v10 =	vsel vm3, $0x6, v10  }
0x84: {  	v10 =	vsel vm2, $0x5, v10  }
0x85: {  	v10 =	vsel vm1, $0x4, v10  }
0x86: {  	v10 =	vsel vm4, $0x3, v10  }
0x87: {  	s16 =	sshll.u32 s13, $0x5;
	s13 =	smov.u32 s18;
	v10 =	vsel vm8, $0x2, v10  }
0x88: {  	s16 =	sand.u32 $0xFFFFFF00, s16;
	v10 =	vsel vm5, $0x1, v10  }
0x89: {  	s16 =	sor.u32 s17, s16;
	v18 =	vmax.f32 v2, $-3.000000010e+38;
	v10 =	vsel vm6, $0x0, v10  }
0x8a: {  	vm0 =	veq.s32 v10, $0x0;
	vm1 =	veq.s32 v10, $0x1;
	vm2 =	veq.s32 v10, $0x2;
	[tilespmem:s16+$0x2400] =	vst v10  }
0x8b: {  	v18 =	vsel vm0, $0xFF61B1E6, v18;
	v20 =	vsel vm1, $0xFF61B1E6, v3;
	v21 =	vsel vm2, $0xFF61B1E6, v1  }
0x8c: {  	vm0 =	veq.s32 v10, $0x3;
	vm1 =	veq.s32 v10, $0x4;
	v18 =	vmax.f32 v18, v20  }
0x8d: {  	v20 =	vsel vm0, $0xFF61B1E6, v4;
	vm0 =	veq.s32 v10, $0x5;
	v18 =	vmax.f32 v18, v21  }
0x8e: {  	v18 =	vmax.f32 v18, v20;
	v20 =	vsel vm1, $0xFF61B1E6, v5;
	vm1 =	veq.s32 v10, $0x6  }
0x8f: {  	v18 =	vmax.f32 v18, v20;
	v20 =	vsel vm0, $0xFF61B1E6, v6;
	vm0 =	veq.s32 v10, $0x7  }
0x90: {  	v18 =	vmax.f32 v18, v20;
	v20 =	vsel vm1, $0xFF61B1E6, v7;
	vm1 =	veq.s32 v10, $0x8  }
0x91: {  	v18 =	vmax.f32 v18, v20;
	v20 =	vsel vm0, $0xFF61B1E6, v8;
	vm0 =	veq.s32 v10, $0x9  }
0x92: {  	v18 =	vmax.f32 v18, v20;
	v20 =	vsel vm1, $0xFF61B1E6, v9;
	v21 =	vsel vm0, $0xFF61B1E6, v11  }
0x93: {  	vm0 =	veq.s32 v10, $0xA;
	vm1 =	veq.s32 v10, $0xB;
	v18 =	vmax.f32 v18, v20  }
0x94: {  	v20 =	vsel vm0, $0xFF61B1E6, v12;
	vm0 =	veq.s32 v10, $0xC;
	v18 =	vmax.f32 v18, v21  }
0x95: {  	v18 =	vmax.f32 v18, v20;
	v20 =	vsel vm1, $0xFF61B1E6, v13;
	vm1 =	veq.s32 v10, $0xD  }
0x96: {  	v18 =	vmax.f32 v18, v20;
	v20 =	vsel vm0, $0xFF61B1E6, v14;
	vm0 =	veq.s32 v10, $0xE  }
0x97: {  	v18 =	vmax.f32 v18, v20;
	v20 =	vsel vm1, $0xFF61B1E6, v15;
	vm1 =	veq.s32 v10, $0xF  }
0x98: {  	vm2 =	vne.s32 v10, $0xC;
	v18 =	vmax.f32 v18, v20;
	v20 =	vsel vm0, $0xFF61B1E6, v16  }
0x99: {  	v18 =	vmax.f32 v18, v20;
	v20 =	vsel vm1, $0xFF61B1E6, v17;
	vm1 =	vne.s32 v10, $0xD  }
0x9a: {  	vm3 =	vne.s32 v10, $0xF;
	vm0 =	vne.s32 v10, $0xE;
	v18 =	vmax.f32 v18, v20  }
0x9b: {  	vm4 =	veq.f32 v16, v18;
	vm5 =	veq.f32 v17, v18;
	v16 =	vsub.f32 v18, v19  }
.Ltmp0:
0x9c: {  	vm6 =	veq.f32 v14, v18;
	vm7 =	veq.f32 v15, v18;
	vm3 =	vmand vm3, vm5;
	(pc) =	sbr.rel @p0 .LBB2_2-.Ltmp0, $4  }
0x9d: {  	vm4 =	vmand vm0, vm4;
	v14 =	vsel vm3, $0xF, v0;
	v15 =	vmul.f32 $1.442695020e+00, v16  }
0x9e: {  	vm0 =	veq.f32 v13, v18;
	vm1 =	vmand vm1, vm7;
	v13 =	vsel vm4, $0xE, v14  }
0x9f: {  	vm2 =	vmand vm2, vm6;
	v13 =	vsel vm1, $0xD, v13;
	(erf) = vpow2.f32 v15  }
0xa0: {  	s17 =	smov.u32 s15;
	vm3 =	veq.f32 v12, v18;
	vm1 =	veq.f32 v11, v18;
	v11 =	vsel vm2, $0xC, v13  }
0xa1: {  	_ =	sdelay $0x2  }
0xa2: {  	vm6 =	veq.f32 v7, v18;
	vm7 =	veq.f32 v8, v18  }
0xa3: {  	vm8 =	veq.f32 v9, v18;
	vm5 =	veq.f32 v4, v18;
	vm9 =	veq.f32 v5, v18  }
0xa4: {  	vm10 =	veq.f32 v6, v18;
	vm2 =	veq.f32 v2, v18;
	vm4 =	veq.f32 v3, v18  }
0xa5: {  	vm11 =	veq.f32 v1, v18;
	vm12 =	vne.s32 v10, $0xB;
	vm13 =	vne.s32 v10, $0xA  }
0xa6: {  	vm14 =	vne.s32 v10, $0x7;
	vm0 =	vmand vm12, vm0;
	vm12 =	vne.s32 v10, $0x9;
	v1 =	vpop (erf)  }
0xa7: {  	vm3 =	vmand vm13, vm3;
	v2 =	vsel vm0, $0xB, v11;
	v3 =	vadd.f32 $1.000000000e+00, v1  }
0xa8: {  	vm13 =	vne.s32 v10, $0x8;
	vm1 =	vmand vm12, vm1;
	v2 =	vsel vm3, $0xA, v2  }
0xa9: {  	vm0 =	vmand vm13, vm8;
	v2 =	vsel vm1, $0x9, v2;
	(erf) = vrcp.f32 v3  }
0xaa: {  	vm15 =	vne.s32 v10, $0x6;
	vm3 =	vmand vm14, vm7;
	v2 =	vsel vm0, $0x8, v2  }
0xab: {  	vm8 =	vne.s32 v10, $0x5;
	vm1 =	vmand vm15, vm6;
	v2 =	vsel vm3, $0x7, v2  }
0xac: {  	vm12 =	vne.s32 v10, $0x4;
	vm0 =	vmand vm8, vm10;
	v2 =	vsel vm1, $0x6, v2  }
0xad: {  	vm13 =	vne.s32 v10, $0x3;
	vm3 =	vmand vm12, vm9;
	v2 =	vsel vm0, $0x5, v2  }
0xae: {  	vm14 =	vne.s32 v10, $0x2;
	vm1 =	vmand vm13, vm5;
	v2 =	vsel vm3, $0x4, v2  }
0xaf: {  	vm15 =	vne.s32 v10, $0x1;
	vm0 =	vmand vm14, vm11;
	v2 =	vsel vm1, $0x3, v2  }
0xb0: {  	vm6 =	vne.s32 v10, $0x0;
	vm3 =	vmand vm15, vm4;
	v2 =	vsel vm0, $0x2, v2  }
0xb1: {  	vm7 =	vmand vm6, vm2;
	v2 =	vsel vm3, $0x1, v2  }
0xb2: {  	v2 =	vsel vm7, $0x0, v2;
	v3 =	vpop (erf)  }
0xb3: {  	s15 =	sshll.u32 s13, $0x7;
	s14 =	sadd.s32 $0x10, s14;
	[tilespmem:s16+$0x2480] =	vst v2;
	v1 =	vmul.f32 v3, v1  }
0xb4: {  	s14 =	sand.u32 $0x70, s14;
	s15 =	sand.u32 $0x3FFFFC00, s15;
	[tilespmem:s16+$0x2000] =	vst v3  }
0xb5: {  	s15 =	sor.u32 s14, s15;
	[tilespmem:s16+$0x2080] =	vst v1  }
0xb6: {  	v2 =	vld [tilespmem:s15+$0x0]  }
0xb7: {  	v3 =	vld [tilespmem:s15+$0x80]  }
0xb8: {  	v1 =	vld [tilespmem:s15+$0x100]  }
0xb9: {  	v41 =	vld [tilespmem:s15+$0x180]  }
0xba: {  	v42 =	vld [tilespmem:s15+$0x200]  }
0xbb: {  	v43 =	vld [tilespmem:s15+$0x280]  }
0xbc: {  	v44 =	vld [tilespmem:s15+$0x300];
	v45 =	vmax.f32 v2, v3  }
0xbd: {  	v46 =	vld [tilespmem:s15+$0x380];
	v8 =	vmax.f32 v45, v1  }
0xbe: {  	v47 =	vld [tilespmem:s15+$0x1000];
	v8 =	vmax.f32 v8, v41  }
0xbf: {  	v48 =	vld [tilespmem:s15+$0x1080];
	v8 =	vmax.f32 v8, v42  }
0xc0: {  	v12 =	vld [tilespmem:s15+$0x1100];
	v8 =	vmax.f32 v8, v43  }
0xc1: {  	v13 =	vld [tilespmem:s15+$0x1180];
	v8 =	vmax.f32 v8, v44  }
0xc2: {  	v14 =	vld [tilespmem:s15+$0x1200];
	v8 =	vmax.f32 v8, v46  }
0xc3: {  	v15 =	vld [tilespmem:s15+$0x1280];
	v8 =	vmax.f32 v8, v47  }
0xc4: {  	v16 =	vld [tilespmem:s15+$0x1300];
	v8 =	vmax.f32 v8, v48  }
0xc5: {  	v17 =	vld [tilespmem:s15+$0x1380];
	v8 =	vmax.f32 v8, v12  }
0xc6: {  	v8 =	vmax.f32 v8, v13  }
0xc7: {  	v8 =	vmax.f32 v8, v14  }
0xc8: {  	v8 =	vmax.f32 v8, v15  }
0xc9: {  	v8 =	vmax.f32 v8, v16  }
0xca: {  	v8 =	vmax.f32 v8, v17  }
0xcb: {  	vm8 =	veq.f32 v17, v8  }
0xcc: {  	vm9 =	veq.f32 v16, v8;
	v49 =	vsel vm8, $0xF, v0  }
0xcd: {  	vm10 =	veq.f32 v15, v8;
	v18 =	vsel vm9, $0xE, v49  }
0xce: {  	vm11 =	veq.f32 v14, v8;
	v18 =	vsel vm10, $0xD, v18  }
0xcf: {  	vm12 =	veq.f32 v13, v8;
	v18 =	vsel vm11, $0xC, v18  }
0xd0: {  	vm13 =	veq.f32 v12, v8;
	v18 =	vsel vm12, $0xB, v18  }
0xd1: {  	vm14 =	veq.f32 v48, v8;
	v18 =	vsel vm13, $0xA, v18  }
0xd2: {  	vm15 =	veq.f32 v47, v8;
	v18 =	vsel vm14, $0x9, v18  }
0xd3: {  	vm4 =	veq.f32 v46, v8;
	v18 =	vsel vm15, $0x8, v18  }
0xd4: {  	vm5 =	veq.f32 v44, v8;
	v18 =	vsel vm4, $0x7, v18  }
0xd5: {  	vm6 =	veq.f32 v43, v8;
	v18 =	vsel vm5, $0x6, v18  }
0xd6: {  	vm7 =	veq.f32 v42, v8;
	v18 =	vsel vm6, $0x5, v18  }
0xd7: {  	vm8 =	veq.f32 v41, v8;
	v18 =	vsel vm7, $0x4, v18  }
0xd8: {  	vm9 =	veq.f32 v1, v8;
	v18 =	vsel vm8, $0x3, v18  }
0xd9: {  	vm10 =	veq.f32 v3, v8;
	v18 =	vsel vm9, $0x2, v18  }
0xda: {  	vm11 =	veq.f32 v2, v8;
	v18 =	vsel vm10, $0x1, v18  }
0xdb: {  	v18 =	vsel vm11, $0x0, v18  }
0xdc: {  	v19 =	vmax.f32 v2, $-3.000000010e+38;
	vm12 =	veq.s32 v18, $0x0;
	vm1 =	veq.s32 v18, $0x1  }
0xdd: {  	vm13 =	veq.s32 v18, $0x2;
	v19 =	vsel vm12, $0xFF61B1E6, v19;
	v20 =	vsel vm1, $0xFF61B1E6, v3  }
0xde: {  	vm14 =	veq.s32 v18, $0x3;
	v21 =	vsel vm13, $0xFF61B1E6, v1;
	v19 =	vmax.f32 v19, v20  }
0xdf: {  	vm15 =	veq.s32 v18, $0x4;
	v50 =	vsel vm14, $0xFF61B1E6, v41;
	v19 =	vmax.f32 v19, v21  }
0xe0: {  	vm4 =	veq.s32 v18, $0x5;
	v51 =	vsel vm15, $0xFF61B1E6, v42;
	v19 =	vmax.f32 v19, v50  }
0xe1: {  	vm5 =	veq.s32 v18, $0x6;
	v52 =	vsel vm4, $0xFF61B1E6, v43;
	v19 =	vmax.f32 v19, v51  }
0xe2: {  	vm6 =	veq.s32 v18, $0x7;
	v53 =	vsel vm5, $0xFF61B1E6, v44;
	v19 =	vmax.f32 v19, v52  }
0xe3: {  	vm7 =	veq.s32 v18, $0x8;
	v54 =	vsel vm6, $0xFF61B1E6, v46;
	v19 =	vmax.f32 v19, v53  }
0xe4: {  	vm8 =	veq.s32 v18, $0x9;
	v55 =	vsel vm7, $0xFF61B1E6, v47;
	v19 =	vmax.f32 v19, v54  }
0xe5: {  	vm9 =	veq.s32 v18, $0xA;
	v56 =	vsel vm8, $0xFF61B1E6, v48;
	v19 =	vmax.f32 v19, v55  }
0xe6: {  	vm10 =	veq.s32 v18, $0xB;
	v57 =	vsel vm9, $0xFF61B1E6, v12;
	v19 =	vmax.f32 v19, v56  }
0xe7: {  	vm11 =	veq.s32 v18, $0xC;
	v58 =	vsel vm10, $0xFF61B1E6, v13;
	v19 =	vmax.f32 v19, v57  }
0xe8: {  	vm12 =	veq.s32 v18, $0xD;
	v59 =	vsel vm11, $0xFF61B1E6, v14;
	v19 =	vmax.f32 v19, v58  }
0xe9: {  	vm13 =	veq.s32 v18, $0xE;
	v60 =	vsel vm12, $0xFF61B1E6, v15;
	v19 =	vmax.f32 v19, v59  }
0xea: {  	vm14 =	veq.s32 v18, $0xF;
	v61 =	vsel vm13, $0xFF61B1E6, v16;
	v19 =	vmax.f32 v19, v60  }
0xeb: {  	v62 =	vsel vm14, $0xFF61B1E6, v17;
	v19 =	vmax.f32 v19, v61  }
0xec: {  	v19 =	vmax.f32 v19, v62  }
0xed: {  	v8 =	vsub.f32 v19, v8;
	_ =	sdelay $0x1  }
0xee: {  	vm0 =	vne.s32 v18, $0xC;
	v8 =	vmul.f32 $1.442695020e+00, v8  }
0xef: {  	vm15 =	vne.s32 v18, $0xD;
	vm9 =	vne.s32 v18, $0xE;
	vm10 =	vne.s32 v18, $0xF  }
0xf0: {  	vm11 =	veq.f32 v16, v19;
	vm12 =	veq.f32 v17, v19;
	(erf) = vpow2.f32 v8  }
0xf1: {  	vm13 =	veq.f32 v14, v19;
	vm14 =	veq.f32 v15, v19;
	vm4 =	veq.f32 v13, v19  }
0xf2: {  	vm5 =	veq.f32 v48, v19;
	vm6 =	veq.f32 v12, v19;
	vm7 =	veq.f32 v44, v19  }
0xf3: {  	vm8 =	veq.f32 v46, v19;
	vm3 =	vmand vm10, vm12;
	vm2 =	vmand vm9, vm11  }
0xf4: {  	vm1 =	vmand vm15, vm14;
	vm0 =	vmand vm0, vm13;
	vm9 =	veq.f32 v47, v19  }
0xf5: {  	vm10 =	veq.f32 v42, v19;
	vm11 =	veq.f32 v43, v19;
	vm12 =	vne.s32 v18, $0xB  }
0xf6: {  	vm13 =	vne.s32 v18, $0xA;
	vm15 =	vne.s32 v18, $0x8;
	v63 =	vsel vm3, $0xF, v0  }
0xf7: {  	vm14 =	vne.s32 v18, $0x6;
	vm3 =	veq.f32 v1, v19;
	v8 =	vsel vm2, $0xE, v63  }
0xf8: {  	vm4 =	vmand vm12, vm4;
	vm12 =	vne.s32 v18, $0x9;
	v8 =	vsel vm1, $0xD, v8  }
0xf9: {  	vm6 =	vmand vm13, vm6;
	vm1 =	veq.f32 v3, v19;
	v8 =	vsel vm0, $0xC, v8;
	v1 =	vpop (erf)  }
0xfa: {  	vm0 =	veq.f32 v2, v19;
	v2 =	vsel vm4, $0xB, v8;
	v3 =	vadd.f32 $1.000000000e+00, v1  }
0xfb: {  	vm13 =	vne.s32 v18, $0x7;
	vm5 =	vmand vm12, vm5;
	v2 =	vsel vm6, $0xA, v2  }
0xfc: {  	vm4 =	vmand vm15, vm9;
	v2 =	vsel vm5, $0x9, v2;
	(erf) = vrcp.f32 v3  }
0xfd: {  	vm12 =	vne.s32 v18, $0x3;
	vm6 =	vmand vm13, vm8;
	v2 =	vsel vm4, $0x8, v2  }
0xfe: {  	vm15 =	vne.s32 v18, $0x5;
	vm5 =	vmand vm14, vm7;
	v2 =	vsel vm6, $0x7, v2  }
0xff: {  	vm9 =	vne.s32 v18, $0x4;
	vm4 =	vmand vm15, vm11;
	v2 =	vsel vm5, $0x6, v2  }
0x100: {  	vm2 =	veq.f32 v41, v19;
	vm6 =	vmand vm9, vm10;
	v2 =	vsel vm4, $0x5, v2  }
0x101: {  	vm2 =	vmand vm12, vm2;
	vm13 =	vne.s32 v18, $0x2;
	v2 =	vsel vm6, $0x4, v2  }
0x102: {  	s31 =	sshll.u32 s13, $0x5;
	vm14 =	vne.s32 v18, $0x1;
	vm3 =	vmand vm13, vm3;
	v2 =	vsel vm2, $0x3, v2  }
0x103: {  	s13 =	sand.u32 $0xFFFFFF00, s31;
	vm15 =	vne.s32 v18, $0x0;
	vm1 =	vmand vm14, vm1;
	v2 =	vsel vm3, $0x2, v2  }
0x104: {  	s13 =	sor.u32 s14, s13;
	vm0 =	vmand vm15, vm0;
	v2 =	vsel vm1, $0x1, v2  }
0x105: {  	[tilespmem:s13+$0x2400] =	vst v18;
	v2 =	vsel vm0, $0x0, v2;
	v3 =	vpop (erf)  }
0x106: {  	[tilespmem:s13+$0x2480] =	vst v2;
	v1 =	vmul.f32 v3, v1  }
0x107: {  	[tilespmem:s13+$0x2000] =	vst v3  }
0x108: {  	[tilespmem:s13+$0x2080] =	vst v1  }
0x109: {  	[hbm4b:s4+s2] =	stream.linear.scatter [tilespmem:s10], [sflag:$0x1], $0x400, $0x38;
	[tilespmem:$0x2800] =	vst v63  }
0x10a: {  	s12 =	sadd.s32 $0x1, s12;
	_ =	swait.ge [sflag:s9], $0x400  }
0x10b: {  	p0 =	sne.s32 s12, s6;
	[sflag:s9] =	ssyncset.done $0x0  }
.Ltmp1:
0x10c: {  	[sflag:s9] =	ssyncadd.s32 $0xFFFFFC00;
	(pc) =	sbr.rel @p0 .LBB2_1-.Ltmp1, $4  }
0x10d: {  	[hbm4b:s5+s2] =	stream.linear.scatter [tilespmem:s11], [sflag:$0x1], $0x400, $0x38;
	[tilespmem:$0x2800] =	vst v63  }
0x10e: {  	_ =	swait.ge [sflag:s9], $0x400  }
0x10f: {  	[sflag:s9] =	ssyncset.done $0x0  }
0x110: {  	[sflag:s9] =	ssyncadd.s32 $0xFFFFFC00  }
0x111: {  	_ =	sfence.sel $0x180000  }
0x112: {  	[bflag:$0x0] =	sbarrier.arrive $0xFFFF  }
0x113: {  	p0 =	sne.s32 s1, $0x0;
	_ =	strace $0x90000047  }
0x114: {  	s0 =	sadd.s32 @!p0 $0x100000, s0;
	[bflag:$0x2] =	sbarrier.arrive $0xFFFF  }
0x115: {  	[sflag:s0] =	ssyncadd.tile.s32 @!p0 $0x1;
	_ =	shalt  }
.Lfunc_end2:
_tile_overlayer_lowered:
.L_overlay_start_2:
0x116: {  	(tag) =	ssettag $0x2  }
0x117: {  	s0 =	rddreg [dreg:$0x0];
	s2 =	stileid.u32  }
0x118: {  	s1 =	rddreg [dreg:$0x1];
	p0 =	sne.s32 s2, $0x0  }
0x119: {  	s3 =	rddreg [dreg:$0x2];
	[bflag:$0x3] =	sbarrier.arrive $0xFFFF;
	s2 =	simm.s32 @!p0 $0x1C01  }
0x11a: {  	[timem:s3], [sflag:s2] =	dma.local @!p0 [hbm:s0], s1  }
0x11b: {  	s0 =	simm.s32 @!p0 $0x1  }
0x11c: {  	_ =	swait.ge @!p0 [sflag:s0], s1  }
0x11d: {  	s1 =	ssub.s32 @!p0 $0x0, s1;
	[sflag:s0] =	ssyncset.done @!p0 $0x0  }
0x11e: {  	[sflag:s0] =	ssyncadd.s32 @!p0 s1  }
0x11f: {  	[bflag:$0x3] =	sbarrier.arrive $0xFFFF  }
0x120: {  	_ =	shalt  }

</sc_bundles>
